<compile_context>
chip_gen: v7x
topology: tpu7x:2x2x1
jax: 0.10.2.dev20260603
libtpu: 0.0.44.dev20260713+nightly
codegen_flags: <defaults>
</compile_context>

<pallas_src>
import functools

import jax
import jax.numpy as jnp
from jax import lax
from jax.experimental import pallas as pl
from jax.experimental.pallas import tpu as pltpu
from jax.experimental.pallas import tpu_sc as plsc

N = 10000
D = 128
NUM_GRAPHS = 64
NUM_LAYERS = 3
EPS = 1e-5

NC = 2
NS = 16
LANES = 16
NW = NC * NS
BLK = 64
NPAD = 10240
RPT = NPAD // NS

_HIGH = jax.lax.Precision.HIGHEST
_DEF = jax.lax.Precision.DEFAULT


def _mesh():
    return plsc.VectorSubcoreMesh(core_axis_name="c", subcore_axis_name="s")



def _deg_counts(dst3, ones_rows, zerosD):
    nblk = dst3.shape[1]

    @functools.partial(
        pl.kernel, mesh=_mesh(),
        out_type=jax.ShapeDtypeStruct((NC, NPAD, D), jnp.float32),
        scratch_types=[
            pltpu.VMEM((nblk, BLK), jnp.int32),
            pltpu.VMEM((BLK, D), jnp.float32),
            pltpu.VMEM_SHARED((NPAD, D), jnp.float32),
        ],
    )
    def deg_kernel(dst_hbm, ones_hbm, z_hbm, out_hbm, dst_v, ones_v, acc_sh):
        cid = lax.axis_index("c")
        sid = lax.axis_index("s")
        wid = cid * NS + sid
        pltpu.sync_copy(z_hbm.at[pl.ds(sid * RPT, RPT)],
                        acc_sh.at[pl.ds(sid * RPT, RPT)])
        pltpu.sync_copy(ones_hbm, ones_v)
        pltpu.sync_copy(dst_hbm.at[wid], dst_v)
        plsc.subcore_barrier()

        @pl.loop(0, nblk)
        def _(i):
            pltpu.sync_copy(ones_v, acc_sh.at[dst_v.at[i]], add=True)

        plsc.subcore_barrier()
        pltpu.sync_copy(acc_sh.at[pl.ds(sid * RPT, RPT)],
                        out_hbm.at[cid, pl.ds(sid * RPT, RPT)])

    return deg_kernel(dst3, ones_rows, zerosD)


def _edge_aggregate(table, src3, dst3, zerosD):
    nblk = src3.shape[1]

    @functools.partial(
        pl.kernel, mesh=_mesh(),
        out_type=jax.ShapeDtypeStruct((NC, NPAD, D), jnp.float32),
        scratch_types=[
            pltpu.VMEM((nblk, BLK), jnp.int32),
            pltpu.VMEM((nblk, BLK), jnp.int32),
            pltpu.VMEM((BLK, D), jnp.float32),
            pltpu.VMEM_SHARED((NPAD, D), jnp.float32),
        ],
    )
    def agg_kernel(table_hbm, src_hbm, dst_hbm, z_hbm, out_hbm,
                   src_v, dst_v, rows_v, acc_sh):
        cid = lax.axis_index("c")
        sid = lax.axis_index("s")
        wid = cid * NS + sid
        pltpu.sync_copy(z_hbm.at[pl.ds(sid * RPT, RPT)],
                        acc_sh.at[pl.ds(sid * RPT, RPT)])
        pltpu.sync_copy(src_hbm.at[wid], src_v)
        pltpu.sync_copy(dst_hbm.at[wid], dst_v)
        plsc.subcore_barrier()

        @pl.loop(0, nblk)
        def _(i):
            pltpu.sync_copy(table_hbm.at[src_v.at[i]], rows_v)
            pltpu.sync_copy(rows_v, acc_sh.at[dst_v.at[i]], add=True)

        plsc.subcore_barrier()
        pltpu.sync_copy(acc_sh.at[pl.ds(sid * RPT, RPT)],
                        out_hbm.at[cid, pl.ds(sid * RPT, RPT)])

    return agg_kernel(table, src3, dst3, zerosD)



def _bn(x, g, b):
    mu = jnp.mean(x, axis=0, keepdims=True)
    var = jnp.mean((x - mu) ** 2, axis=0, keepdims=True)
    return (x - mu) / jnp.sqrt(var + EPS) * g + b


def _tc_prelude(x, g, b, W, bvec):
    def body(x_ref, g_ref, b_ref, w_ref, bv_ref, o_ref):
        hn = _bn(x_ref[...], g_ref[...], b_ref[...])
        o_ref[...] = jnp.maximum(
            jnp.dot(hn, w_ref[...], preferred_element_type=jnp.float32,
                    precision=_DEF) + bv_ref[...], 0.0)

    return pl.pallas_call(
        body, out_shape=jax.ShapeDtypeStruct((N, D), jnp.float32),
    )(x, g.reshape(1, D), b.reshape(1, D), W, bvec.reshape(1, D))


def _tc_layer0(h, deg_parts, g, b, W):
    def body(h_ref, dp_ref, g_ref, b_ref, w_ref, hs_ref, dinv_ref):
        deg = dp_ref[0, :N, :1] + dp_ref[1, :N, :1] + 1.0
        dinv = lax.rsqrt(jnp.maximum(deg, 1.0))
        dinv_ref[...] = dinv
        hn = _bn(h_ref[...], g_ref[...], b_ref[...])
        hs_ref[...] = jnp.dot(hn, w_ref[...], preferred_element_type=jnp.float32,
                              precision=_DEF) * dinv

    return pl.pallas_call(
        body, out_shape=(jax.ShapeDtypeStruct((N, D), jnp.float32),
                         jax.ShapeDtypeStruct((N, 1), jnp.float32)),
    )(h, deg_parts, g.reshape(1, D), b.reshape(1, D), W)


def _tc_mid(parts, hs_prev, dinv, bias, g, b, W):
    def body(p_ref, hsp_ref, dinv_ref, bias_ref, g_ref, b_ref, w_ref, hs_ref):
        dinv_v = dinv_ref[...]
        agg = dinv_v * (p_ref[0, :N, :] + p_ref[1, :N, :] + hsp_ref[...])
        h = jnp.maximum(agg + bias_ref[...], 0.0)
        hn = _bn(h, g_ref[...], b_ref[...])
        hs_ref[...] = jnp.dot(hn, w_ref[...], preferred_element_type=jnp.float32,
                              precision=_DEF) * dinv_v

    return pl.pallas_call(
        body, out_shape=jax.ShapeDtypeStruct((N, D), jnp.float32),
    )(parts, hs_prev, dinv, bias.reshape(1, D), g.reshape(1, D),
      b.reshape(1, D), W)


def _tc_final(parts, hs_prev, dinv, bias, batch_row):
    def body(p_ref, hsp_ref, dinv_ref, bias_ref, bt_ref, o_ref):
        dinv_v = dinv_ref[...]
        agg = dinv_v * (p_ref[0, :N, :] + p_ref[1, :N, :] + hsp_ref[...])
        h = jnp.maximum(agg + bias_ref[...], 0.0)
        gids = lax.broadcasted_iota(jnp.int32, (NUM_GRAPHS, N), 0)
        onehot = (gids == bt_ref[...]).astype(jnp.float32)
        o_ref[...] = jnp.dot(onehot, h, preferred_element_type=jnp.float32,
                             precision=_HIGH)

    return pl.pallas_call(
        body, out_shape=jax.ShapeDtypeStruct((NUM_GRAPHS, D), jnp.float32),
    )(parts, hs_prev, dinv, bias.reshape(1, D), batch_row)



def kernel(x, edge_index, batch, bn_feat_g, bn_feat_b, W_feat, b_feat,
           bn_g, bn_b, Ws, bs):
    E = edge_index.shape[1]
    src = edge_index[0].astype(jnp.int32)
    dst = edge_index[1].astype(jnp.int32)

    chunk = NW * BLK
    e_pad = ((E + chunk - 1) // chunk) * chunk
    if e_pad != E:
        src = jnp.concatenate([src, jnp.zeros((e_pad - E,), jnp.int32)])
        dst = jnp.concatenate(
            [dst, jnp.full((e_pad - E,), NPAD - 1, jnp.int32)])
    nblk = e_pad // chunk
    src3 = src.reshape(NW, nblk, BLK)
    dst3 = dst.reshape(NW, nblk, BLK)

    ones_rows = jnp.ones((BLK, D), jnp.float32)
    zerosD = jnp.zeros((NPAD, D), jnp.float32)

    deg_parts = _deg_counts(dst3, ones_rows, zerosD)
    h = _tc_prelude(x, bn_feat_g, bn_feat_b, W_feat, b_feat)

    hs, dinv = _tc_layer0(h, deg_parts, bn_g[0], bn_b[0], Ws[0])
    for i in range(NUM_LAYERS):
        parts = _edge_aggregate(hs, src3, dst3, zerosD)
        if i + 1 < NUM_LAYERS:
            hs = _tc_mid(parts, hs, dinv, bs[i], bn_g[i + 1], bn_b[i + 1],
                         Ws[i + 1])
        else:
            return _tc_final(parts, hs, dinv, bs[i],
                             batch.astype(jnp.int32).reshape(1, N))

# --- scband reference (transcript-rebuilt; emitter-appended) ---
"""Pipeline reference for scband-gcn-64372969832855 (READ-ONLY COPY).

The authoritative reference and input builder live on the scoring server;
editing this copy changes nothing except your own understanding.
"""

import jax, jax.numpy as jnp
import numpy as np

N = 10000
E = 320000
D = 128
H = 128
NUM_GRAPHS = 64
NUM_LAYERS = 3
EPS = 1e-5


def batch_norm(x, g, b):
    mu = jnp.mean(x, axis=0)
    var = jnp.var(x, axis=0)
    return (x - mu) / jnp.sqrt(var + EPS) * g + b


def setup_inputs(seed: int = 0) -> dict:
    key = jax.random.key(seed)
    ks = jax.random.split(key, 16)
    x = jax.random.normal(ks[0], (N, D), dtype=jnp.float32)
    edge_index = jax.random.randint(ks[1], (2, E), 0, N, dtype=jnp.int64)
    batch = jnp.sort(jax.random.randint(ks[2], (N,), 0, NUM_GRAPHS, dtype=jnp.int64))
    bn_feat_g = jnp.ones((D,), dtype=jnp.float32)
    bn_feat_b = jnp.full((D,), 1e-4, dtype=jnp.float32)
    W_feat = jax.random.normal(ks[3], (D, H), dtype=jnp.float32) / np.sqrt(D)
    b_feat = jnp.zeros((H,), dtype=jnp.float32)
    bn_g = jnp.ones((NUM_LAYERS, H), dtype=jnp.float32)
    bn_b = jnp.full((NUM_LAYERS, H), 1e-4, dtype=jnp.float32)
    Ws = jax.random.normal(ks[4], (NUM_LAYERS, H, H), dtype=jnp.float32) / np.sqrt(H)
    bs = jnp.zeros((NUM_LAYERS, H), dtype=jnp.float32)
    return {"x": x, "edge_index": edge_index, "batch": batch,
            "bn_feat_g": bn_feat_g, "bn_feat_b": bn_feat_b,
            "W_feat": W_feat, "b_feat": b_feat,
            "bn_g": bn_g, "bn_b": bn_b, "Ws": Ws, "bs": bs}


def reference(x, edge_index, batch, bn_feat_g, bn_feat_b, W_feat, b_feat, bn_g, bn_b, Ws, bs):
    # add self loops and compute symmetric GCN normalization
    src = edge_index[0]
    dst = edge_index[1]
    loop = jnp.arange(N, dtype=src.dtype)
    src_sl = jnp.concatenate([src, loop])
    dst_sl = jnp.concatenate([dst, loop])
    deg = jax.ops.segment_sum(jnp.ones_like(dst_sl, dtype=jnp.float32), dst_sl, num_segments=N)
    dinv = jax.lax.rsqrt(jnp.maximum(deg, 1.0))
    norm = dinv[src_sl] * dinv[dst_sl]

    # bn_feat + conv_feat (gfn=True -> pure linear, no propagation)
    h = batch_norm(x, bn_feat_g, bn_feat_b)
    h = jax.nn.relu(h @ W_feat + b_feat)

    for i in range(NUM_LAYERS):
        h = batch_norm(h, bn_g[i], bn_b[i])
        hl = h @ Ws[i]
        msg = hl[src_sl] * norm[:, None]
        agg = jax.ops.segment_sum(msg, dst_sl, num_segments=N) + bs[i]
        h = jax.nn.relu(agg)

    graph_emb = jax.ops.segment_sum(h, batch, num_segments=NUM_GRAPHS)
    return graph_emb

if __name__ == "__main__":
    import jax
    _d = setup_inputs()
    print(jax.jit(kernel)(*tuple(_d.values())))

</pallas_src>

<mosaic_0001>
#map = affine_map<(d0, d1) -> (0, 0)>
#map1 = affine_map<(d0, d1) -> (0, 0, 0)>
module attributes {stable_mosaic.version = 14 : i64} {
  func.func @agg_kernel(%arg0: i32, %arg1: i32, %arg2: memref<10000x128xf32, #tpu.memory_space<hbm>>, %arg3: memref<32x157x64xi32, #tpu.memory_space<hbm>>, %arg4: memref<32x157x64xi32, #tpu.memory_space<hbm>>, %arg5: memref<10240x128xf32, #tpu.memory_space<hbm>>, %arg6: memref<2x10240x128xf32, #tpu.memory_space<hbm>>, %arg7: memref<157x64xi32, #tpu.memory_space<vmem>>, %arg8: memref<157x64xi32, #tpu.memory_space<vmem>>, %arg9: memref<64x128xf32, #tpu.memory_space<vmem>>, %arg10: memref<10240x128xf32, #tpu.memory_space<vmem_shared>>) attributes {dimension_semantics = [#tpu.dimension_semantics<core_parallel>, #tpu.dimension_semantics<subcore_parallel>], iteration_bounds = array<i64: 2, 16>, scalar_prefetch = 0 : i64, scratch_operands = 4 : i64, tpu.core_type = #tpu.core_type<sc_vector_subcore>, window_params = [{transform_indices = #map}, {transform_indices = #map1}, {transform_indices = #map1}, {transform_indices = #map}, {transform_indices = #map1}]} {
    %mul3A = arith.constant 16 : i32
    %mul3A_0 = arith.muli %arg0, %mul3A : i32
    %add3A = arith.addi %mul3A_0, %arg1 : i32
    %mul3A_1 = arith.constant 640 : i32
    %mul3A_2 = arith.muli %arg1, %mul3A_1 : i32
    %mul3A_3 = arith.constant 640 : i32
    %mul3A_4 = arith.muli %arg1, %mul3A_3 : i32
    "tpu.region"() ({
      %run_scoped3A = tpu.sem_alloc : memref<!tpu.dma_semaphore, #tpu.memory_space<semaphore_mem>>
      %dma_start3A = arith.constant 0 : i32
      %dma_start3A_14 = tpu.memref_slice %arg10[%mul3A_4, %dma_start3A] : memref<10240x128xf32, #tpu.memory_space<vmem_shared>> -> memref<640x128xf32, #tpu.memory_space<vmem_shared>>
      %dma_start3A_15 = arith.constant 0 : i32
      %dma_start3A_16 = tpu.memref_slice %arg5[%mul3A_2, %dma_start3A_15] : memref<10240x128xf32, #tpu.memory_space<hbm>> -> memref<640x128xf32, #tpu.memory_space<hbm>>
      tpu.enqueue_dma source(%dma_start3A_16 : memref<640x128xf32, #tpu.memory_space<hbm>>) target(%dma_start3A_14 : memref<640x128xf32, #tpu.memory_space<vmem_shared>>) target_semaphore(%run_scoped3A : memref<!tpu.dma_semaphore, #tpu.memory_space<semaphore_mem>>)
      %dma_wait3A = arith.constant 0 : i32
      %dma_wait3A_17 = tpu.memref_slice %arg10[%mul3A_4, %dma_wait3A] : memref<10240x128xf32, #tpu.memory_space<vmem_shared>> -> memref<640x128xf32, #tpu.memory_space<vmem_shared>>
      %dma_wait3A_18 = arith.constant 0 : i32
      %dma_wait3A_19 = tpu.memref_slice %arg5[%mul3A_2, %dma_wait3A_18] : memref<10240x128xf32, #tpu.memory_space<hbm>> -> memref<640x128xf32, #tpu.memory_space<hbm>>
      tpu.wait_dma2 semaphore(%run_scoped3A : memref<!tpu.dma_semaphore, #tpu.memory_space<semaphore_mem>>) src(%dma_wait3A_19 : memref<640x128xf32, #tpu.memory_space<hbm>>) dst(%dma_wait3A_17 : memref<640x128xf32, #tpu.memory_space<vmem_shared>>)
      tpu.yield
    }) : () -> ()
    "tpu.region"() ({
      %run_scoped3A = tpu.sem_alloc : memref<!tpu.dma_semaphore, #tpu.memory_space<semaphore_mem>>
      %dma_start3A = arith.constant 0 : i32
      %dma_start3A_14 = arith.constant 0 : i32
      %dma_start3A_15 = tpu.memref_slice %arg3[%add3A, %dma_start3A, %dma_start3A_14] : memref<32x157x64xi32, #tpu.memory_space<hbm>> -> memref<1x157x64xi32, #tpu.memory_space<hbm>>
      %dma_start3A_16 = tpu.memref_squeeze %dma_start3A_15 : memref<1x157x64xi32, #tpu.memory_space<hbm>> -> memref<157x64xi32, #tpu.memory_space<hbm>>
      %dma_start3A_17 = arith.constant 0 : i32
      %dma_start3A_18 = arith.constant 0 : i32
      %dma_start3A_19 = tpu.memref_slice %arg3[%add3A, %dma_start3A_17, %dma_start3A_18] : memref<32x157x64xi32, #tpu.memory_space<hbm>> -> memref<1x157x64xi32, #tpu.memory_space<hbm>>
      %dma_start3A_20 = tpu.memref_squeeze %dma_start3A_19 : memref<1x157x64xi32, #tpu.memory_space<hbm>> -> memref<157x64xi32, #tpu.memory_space<hbm>>
      tpu.enqueue_dma source(%dma_start3A_20 : memref<157x64xi32, #tpu.memory_space<hbm>>) target(%arg7 : memref<157x64xi32, #tpu.memory_space<vmem>>) target_semaphore(%run_scoped3A : memref<!tpu.dma_semaphore, #tpu.memory_space<semaphore_mem>>)
      %dma_wait3A = arith.constant 0 : i32
      %dma_wait3A_21 = arith.constant 0 : i32
      %dma_wait3A_22 = tpu.memref_slice %arg3[%add3A, %dma_wait3A, %dma_wait3A_21] : memref<32x157x64xi32, #tpu.memory_space<hbm>> -> memref<1x157x64xi32, #tpu.memory_space<hbm>>
      %dma_wait3A_23 = tpu.memref_squeeze %dma_wait3A_22 : memref<1x157x64xi32, #tpu.memory_space<hbm>> -> memref<157x64xi32, #tpu.memory_space<hbm>>
      %dma_wait3A_24 = arith.constant 0 : i32
      %dma_wait3A_25 = arith.constant 0 : i32
      %dma_wait3A_26 = tpu.memref_slice %arg3[%add3A, %dma_wait3A_24, %dma_wait3A_25] : memref<32x157x64xi32, #tpu.memory_space<hbm>> -> memref<1x157x64xi32, #tpu.memory_space<hbm>>
      %dma_wait3A_27 = tpu.memref_squeeze %dma_wait3A_26 : memref<1x157x64xi32, #tpu.memory_space<hbm>> -> memref<157x64xi32, #tpu.memory_space<hbm>>
      tpu.wait_dma2 semaphore(%run_scoped3A : memref<!tpu.dma_semaphore, #tpu.memory_space<semaphore_mem>>) src(%dma_wait3A_27 : memref<157x64xi32, #tpu.memory_space<hbm>>) dst(%arg7 : memref<157x64xi32, #tpu.memory_space<vmem>>)
      tpu.yield
    }) : () -> ()
    "tpu.region"() ({
      %run_scoped3A = tpu.sem_alloc : memref<!tpu.dma_semaphore, #tpu.memory_space<semaphore_mem>>
      %dma_start3A = arith.constant 0 : i32
      %dma_start3A_14 = arith.constant 0 : i32
      %dma_start3A_15 = tpu.memref_slice %arg4[%add3A, %dma_start3A, %dma_start3A_14] : memref<32x157x64xi32, #tpu.memory_space<hbm>> -> memref<1x157x64xi32, #tpu.memory_space<hbm>>
      %dma_start3A_16 = tpu.memref_squeeze %dma_start3A_15 : memref<1x157x64xi32, #tpu.memory_space<hbm>> -> memref<157x64xi32, #tpu.memory_space<hbm>>
      %dma_start3A_17 = arith.constant 0 : i32
      %dma_start3A_18 = arith.constant 0 : i32
      %dma_start3A_19 = tpu.memref_slice %arg4[%add3A, %dma_start3A_17, %dma_start3A_18] : memref<32x157x64xi32, #tpu.memory_space<hbm>> -> memref<1x157x64xi32, #tpu.memory_space<hbm>>
      %dma_start3A_20 = tpu.memref_squeeze %dma_start3A_19 : memref<1x157x64xi32, #tpu.memory_space<hbm>> -> memref<157x64xi32, #tpu.memory_space<hbm>>
      tpu.enqueue_dma source(%dma_start3A_20 : memref<157x64xi32, #tpu.memory_space<hbm>>) target(%arg8 : memref<157x64xi32, #tpu.memory_space<vmem>>) target_semaphore(%run_scoped3A : memref<!tpu.dma_semaphore, #tpu.memory_space<semaphore_mem>>)
      %dma_wait3A = arith.constant 0 : i32
      %dma_wait3A_21 = arith.constant 0 : i32
      %dma_wait3A_22 = tpu.memref_slice %arg4[%add3A, %dma_wait3A, %dma_wait3A_21] : memref<32x157x64xi32, #tpu.memory_space<hbm>> -> memref<1x157x64xi32, #tpu.memory_space<hbm>>
      %dma_wait3A_23 = tpu.memref_squeeze %dma_wait3A_22 : memref<1x157x64xi32, #tpu.memory_space<hbm>> -> memref<157x64xi32, #tpu.memory_space<hbm>>
      %dma_wait3A_24 = arith.constant 0 : i32
      %dma_wait3A_25 = arith.constant 0 : i32
      %dma_wait3A_26 = tpu.memref_slice %arg4[%add3A, %dma_wait3A_24, %dma_wait3A_25] : memref<32x157x64xi32, #tpu.memory_space<hbm>> -> memref<1x157x64xi32, #tpu.memory_space<hbm>>
      %dma_wait3A_27 = tpu.memref_squeeze %dma_wait3A_26 : memref<1x157x64xi32, #tpu.memory_space<hbm>> -> memref<157x64xi32, #tpu.memory_space<hbm>>
      tpu.wait_dma2 semaphore(%run_scoped3A : memref<!tpu.dma_semaphore, #tpu.memory_space<semaphore_mem>>) src(%dma_wait3A_27 : memref<157x64xi32, #tpu.memory_space<hbm>>) dst(%arg8 : memref<157x64xi32, #tpu.memory_space<vmem>>)
      tpu.yield
    }) : () -> ()
    %barrier3A = arith.constant 0 : index
    tpu.barrier barrier_id(%barrier3A)
    %scan3A = arith.constant 0 : i32
    %scan3A_5 = arith.constant 157 : i32
    %scan3A_6 = arith.addi %scan3A, %scan3A_5 : i32
    %scan3A_7 = arith.constant 1 : i32
    scf.for %scan3A_14 = %scan3A to %scan3A_6 step %scan3A_7  : i32 {
      %mul3A_15 = arith.constant 1 : i32
      %mul3A_16 = arith.muli %scan3A_14, %mul3A_15 : i32
      %add3A_17 = arith.constant 0 : i32
      %add3A_18 = arith.addi %add3A_17, %mul3A_16 : i32
      "tpu.region"() ({
        %run_scoped3A = tpu.sem_alloc : memref<!tpu.dma_semaphore, #tpu.memory_space<semaphore_mem>>
        %dma_start3A = arith.constant 0 : i32
        %dma_start3A_19 = tpu.memref_slice %arg7[%add3A_18, %dma_start3A] : memref<157x64xi32, #tpu.memory_space<vmem>> -> memref<1x64xi32, #tpu.memory_space<vmem>>
        %dma_start3A_20 = tpu.memref_squeeze %dma_start3A_19 : memref<1x64xi32, #tpu.memory_space<vmem>> -> memref<64xi32, #tpu.memory_space<vmem>>
        %dma_start3A_21 = arith.constant 0 : i32
        %dma_start3A_22 = arith.constant 0 : i32
        %dma_start3A_23 = tpu.memref_slice %arg2[%dma_start3A_21, %dma_start3A_22] : memref<10000x128xf32, #tpu.memory_space<hbm>> -> memref<10000x128xf32, #tpu.memory_space<hbm>>
        tpu.enqueue_indirect_dma source(%dma_start3A_23 : memref<10000x128xf32, #tpu.memory_space<hbm>>) target(%arg9 : memref<64x128xf32, #tpu.memory_space<vmem>>) offsets(%dma_start3A_20 : memref<64xi32, #tpu.memory_space<vmem>>) semaphore(%run_scoped3A : memref<!tpu.dma_semaphore, #tpu.memory_space<semaphore_mem>>)
        %dma_wait3A = arith.constant 0 : i32
        %dma_wait3A_24 = tpu.memref_slice %arg7[%add3A_18, %dma_wait3A] : memref<157x64xi32, #tpu.memory_space<vmem>> -> memref<1x64xi32, #tpu.memory_space<vmem>>
        %dma_wait3A_25 = tpu.memref_squeeze %dma_wait3A_24 : memref<1x64xi32, #tpu.memory_space<vmem>> -> memref<64xi32, #tpu.memory_space<vmem>>
        %dma_wait3A_26 = arith.constant 0 : i32
        %dma_wait3A_27 = arith.constant 0 : i32
        %dma_wait3A_28 = tpu.memref_slice %arg2[%dma_wait3A_26, %dma_wait3A_27] : memref<10000x128xf32, #tpu.memory_space<hbm>> -> memref<10000x128xf32, #tpu.memory_space<hbm>>
        tpu.wait_indirect_dma semaphore(%run_scoped3A : memref<!tpu.dma_semaphore, #tpu.memory_space<semaphore_mem>>) src(%dma_wait3A_28 : memref<10000x128xf32, #tpu.memory_space<hbm>>) dst(%arg9 : memref<64x128xf32, #tpu.memory_space<vmem>>)
        tpu.yield
      }) : () -> ()
      "tpu.region"() ({
        %run_scoped3A = tpu.sem_alloc : memref<!tpu.dma_semaphore, #tpu.memory_space<semaphore_mem>>
        %dma_start3A = arith.constant 0 : i32
        %dma_start3A_19 = tpu.memref_slice %arg8[%add3A_18, %dma_start3A] : memref<157x64xi32, #tpu.memory_space<vmem>> -> memref<1x64xi32, #tpu.memory_space<vmem>>
        %dma_start3A_20 = tpu.memref_squeeze %dma_start3A_19 : memref<1x64xi32, #tpu.memory_space<vmem>> -> memref<64xi32, #tpu.memory_space<vmem>>
        %dma_start3A_21 = arith.constant 0 : i32
        %dma_start3A_22 = arith.constant 0 : i32
        %dma_start3A_23 = tpu.memref_slice %arg10[%dma_start3A_21, %dma_start3A_22] : memref<10240x128xf32, #tpu.memory_space<vmem_shared>> -> memref<10240x128xf32, #tpu.memory_space<vmem_shared>>
        tpu.enqueue_indirect_dma source(%arg9 : memref<64x128xf32, #tpu.memory_space<vmem>>) target(%dma_start3A_23 : memref<10240x128xf32, #tpu.memory_space<vmem_shared>>) offsets(%dma_start3A_20 : memref<64xi32, #tpu.memory_space<vmem>>) semaphore(%run_scoped3A : memref<!tpu.dma_semaphore, #tpu.memory_space<semaphore_mem>>) {add = true}
        %dma_wait3A = arith.constant 0 : i32
        %dma_wait3A_24 = tpu.memref_slice %arg8[%add3A_18, %dma_wait3A] : memref<157x64xi32, #tpu.memory_space<vmem>> -> memref<1x64xi32, #tpu.memory_space<vmem>>
        %dma_wait3A_25 = tpu.memref_squeeze %dma_wait3A_24 : memref<1x64xi32, #tpu.memory_space<vmem>> -> memref<64xi32, #tpu.memory_space<vmem>>
        %dma_wait3A_26 = arith.constant 0 : i32
        %dma_wait3A_27 = arith.constant 0 : i32
        %dma_wait3A_28 = tpu.memref_slice %arg10[%dma_wait3A_26, %dma_wait3A_27] : memref<10240x128xf32, #tpu.memory_space<vmem_shared>> -> memref<10240x128xf32, #tpu.memory_space<vmem_shared>>
        tpu.wait_indirect_dma semaphore(%run_scoped3A : memref<!tpu.dma_semaphore, #tpu.memory_space<semaphore_mem>>) src(%arg9 : memref<64x128xf32, #tpu.memory_space<vmem>>) dst(%dma_wait3A_28 : memref<10240x128xf32, #tpu.memory_space<vmem_shared>>)
        tpu.yield
      }) : () -> ()
    }
    %scan3A_8 = arith.constant 157 : i32
    %barrier3A_9 = arith.constant 0 : index
    tpu.barrier barrier_id(%barrier3A_9)
    %mul3A_10 = arith.constant 640 : i32
    %mul3A_11 = arith.muli %arg1, %mul3A_10 : i32
    %mul3A_12 = arith.constant 640 : i32
    %mul3A_13 = arith.muli %arg1, %mul3A_12 : i32
    "tpu.region"() ({
      %run_scoped3A = tpu.sem_alloc : memref<!tpu.dma_semaphore, #tpu.memory_space<semaphore_mem>>
      %dma_start3A = arith.constant 0 : i32
      %dma_start3A_14 = tpu.memref_slice %arg6[%arg0, %mul3A_13, %dma_start3A] : memref<2x10240x128xf32, #tpu.memory_space<hbm>> -> memref<1x640x128xf32, #tpu.memory_space<hbm>>
      %dma_start3A_15 = tpu.memref_squeeze %dma_start3A_14 : memref<1x640x128xf32, #tpu.memory_space<hbm>> -> memref<640x128xf32, #tpu.memory_space<hbm>>
      %dma_start3A_16 = arith.constant 0 : i32
      %dma_start3A_17 = tpu.memref_slice %arg10[%mul3A_11, %dma_start3A_16] : memref<10240x128xf32, #tpu.memory_space<vmem_shared>> -> memref<640x128xf32, #tpu.memory_space<vmem_shared>>
      tpu.enqueue_dma source(%dma_start3A_17 : memref<640x128xf32, #tpu.memory_space<vmem_shared>>) target(%dma_start3A_15 : memref<640x128xf32, #tpu.memory_space<hbm>>) target_semaphore(%run_scoped3A : memref<!tpu.dma_semaphore, #tpu.memory_space<semaphore_mem>>)
      %dma_wait3A = arith.constant 0 : i32
      %dma_wait3A_18 = tpu.memref_slice %arg6[%arg0, %mul3A_13, %dma_wait3A] : memref<2x10240x128xf32, #tpu.memory_space<hbm>> -> memref<1x640x128xf32, #tpu.memory_space<hbm>>
      %dma_wait3A_19 = tpu.memref_squeeze %dma_wait3A_18 : memref<1x640x128xf32, #tpu.memory_space<hbm>> -> memref<640x128xf32, #tpu.memory_space<hbm>>
      %dma_wait3A_20 = arith.constant 0 : i32
      %dma_wait3A_21 = tpu.memref_slice %arg10[%mul3A_11, %dma_wait3A_20] : memref<10240x128xf32, #tpu.memory_space<vmem_shared>> -> memref<640x128xf32, #tpu.memory_space<vmem_shared>>
      tpu.wait_dma2 semaphore(%run_scoped3A : memref<!tpu.dma_semaphore, #tpu.memory_space<semaphore_mem>>) src(%dma_wait3A_21 : memref<640x128xf32, #tpu.memory_space<vmem_shared>>) dst(%dma_wait3A_19 : memref<640x128xf32, #tpu.memory_space<hbm>>)
      tpu.yield
    }) : () -> ()
    return
  }
}

#map = affine_map<(d0, d1) -> (0, 0, 0)>
#map1 = affine_map<(d0, d1) -> (0, 0)>
module attributes {stable_mosaic.version = 14 : i64} {
  func.func @deg_kernel(%arg0: i32, %arg1: i32, %arg2: memref<32x157x64xi32, #tpu.memory_space<hbm>>, %arg3: memref<64x128xf32, #tpu.memory_space<hbm>>, %arg4: memref<10240x128xf32, #tpu.memory_space<hbm>>, %arg5: memref<2x10240x128xf32, #tpu.memory_space<hbm>>, %arg6: memref<157x64xi32, #tpu.memory_space<vmem>>, %arg7: memref<64x128xf32, #tpu.memory_space<vmem>>, %arg8: memref<10240x128xf32, #tpu.memory_space<vmem_shared>>) attributes {dimension_semantics = [#tpu.dimension_semantics<core_parallel>, #tpu.dimension_semantics<subcore_parallel>], iteration_bounds = array<i64: 2, 16>, scalar_prefetch = 0 : i64, scratch_operands = 3 : i64, tpu.core_type = #tpu.core_type<sc_vector_subcore>, window_params = [{transform_indices = #map}, {transform_indices = #map1}, {transform_indices = #map1}, {transform_indices = #map}]} {
    %mul3A = arith.constant 16 : i32
    %mul3A_0 = arith.muli %arg0, %mul3A : i32
    %add3A = arith.addi %mul3A_0, %arg1 : i32
    %mul3A_1 = arith.constant 640 : i32
    %mul3A_2 = arith.muli %arg1, %mul3A_1 : i32
    %mul3A_3 = arith.constant 640 : i32
    %mul3A_4 = arith.muli %arg1, %mul3A_3 : i32
    "tpu.region"() ({
      %run_scoped3A = tpu.sem_alloc : memref<!tpu.dma_semaphore, #tpu.memory_space<semaphore_mem>>
      %dma_start3A = arith.constant 0 : i32
      %dma_start3A_14 = tpu.memref_slice %arg8[%mul3A_4, %dma_start3A] : memref<10240x128xf32, #tpu.memory_space<vmem_shared>> -> memref<640x128xf32, #tpu.memory_space<vmem_shared>>
      %dma_start3A_15 = arith.constant 0 : i32
      %dma_start3A_16 = tpu.memref_slice %arg4[%mul3A_2, %dma_start3A_15] : memref<10240x128xf32, #tpu.memory_space<hbm>> -> memref<640x128xf32, #tpu.memory_space<hbm>>
      tpu.enqueue_dma source(%dma_start3A_16 : memref<640x128xf32, #tpu.memory_space<hbm>>) target(%dma_start3A_14 : memref<640x128xf32, #tpu.memory_space<vmem_shared>>) target_semaphore(%run_scoped3A : memref<!tpu.dma_semaphore, #tpu.memory_space<semaphore_mem>>)
      %dma_wait3A = arith.constant 0 : i32
      %dma_wait3A_17 = tpu.memref_slice %arg8[%mul3A_4, %dma_wait3A] : memref<10240x128xf32, #tpu.memory_space<vmem_shared>> -> memref<640x128xf32, #tpu.memory_space<vmem_shared>>
      %dma_wait3A_18 = arith.constant 0 : i32
      %dma_wait3A_19 = tpu.memref_slice %arg4[%mul3A_2, %dma_wait3A_18] : memref<10240x128xf32, #tpu.memory_space<hbm>> -> memref<640x128xf32, #tpu.memory_space<hbm>>
      tpu.wait_dma2 semaphore(%run_scoped3A : memref<!tpu.dma_semaphore, #tpu.memory_space<semaphore_mem>>) src(%dma_wait3A_19 : memref<640x128xf32, #tpu.memory_space<hbm>>) dst(%dma_wait3A_17 : memref<640x128xf32, #tpu.memory_space<vmem_shared>>)
      tpu.yield
    }) : () -> ()
    "tpu.region"() ({
      %run_scoped3A = tpu.sem_alloc : memref<!tpu.dma_semaphore, #tpu.memory_space<semaphore_mem>>
      tpu.enqueue_dma source(%arg3 : memref<64x128xf32, #tpu.memory_space<hbm>>) target(%arg7 : memref<64x128xf32, #tpu.memory_space<vmem>>) target_semaphore(%run_scoped3A : memref<!tpu.dma_semaphore, #tpu.memory_space<semaphore_mem>>)
      tpu.wait_dma2 semaphore(%run_scoped3A : memref<!tpu.dma_semaphore, #tpu.memory_space<semaphore_mem>>) src(%arg3 : memref<64x128xf32, #tpu.memory_space<hbm>>) dst(%arg7 : memref<64x128xf32, #tpu.memory_space<vmem>>)
      tpu.yield
    }) : () -> ()
    "tpu.region"() ({
      %run_scoped3A = tpu.sem_alloc : memref<!tpu.dma_semaphore, #tpu.memory_space<semaphore_mem>>
      %dma_start3A = arith.constant 0 : i32
      %dma_start3A_14 = arith.constant 0 : i32
      %dma_start3A_15 = tpu.memref_slice %arg2[%add3A, %dma_start3A, %dma_start3A_14] : memref<32x157x64xi32, #tpu.memory_space<hbm>> -> memref<1x157x64xi32, #tpu.memory_space<hbm>>
      %dma_start3A_16 = tpu.memref_squeeze %dma_start3A_15 : memref<1x157x64xi32, #tpu.memory_space<hbm>> -> memref<157x64xi32, #tpu.memory_space<hbm>>
      %dma_start3A_17 = arith.constant 0 : i32
      %dma_start3A_18 = arith.constant 0 : i32
      %dma_start3A_19 = tpu.memref_slice %arg2[%add3A, %dma_start3A_17, %dma_start3A_18] : memref<32x157x64xi32, #tpu.memory_space<hbm>> -> memref<1x157x64xi32, #tpu.memory_space<hbm>>
      %dma_start3A_20 = tpu.memref_squeeze %dma_start3A_19 : memref<1x157x64xi32, #tpu.memory_space<hbm>> -> memref<157x64xi32, #tpu.memory_space<hbm>>
      tpu.enqueue_dma source(%dma_start3A_20 : memref<157x64xi32, #tpu.memory_space<hbm>>) target(%arg6 : memref<157x64xi32, #tpu.memory_space<vmem>>) target_semaphore(%run_scoped3A : memref<!tpu.dma_semaphore, #tpu.memory_space<semaphore_mem>>)
      %dma_wait3A = arith.constant 0 : i32
      %dma_wait3A_21 = arith.constant 0 : i32
      %dma_wait3A_22 = tpu.memref_slice %arg2[%add3A, %dma_wait3A, %dma_wait3A_21] : memref<32x157x64xi32, #tpu.memory_space<hbm>> -> memref<1x157x64xi32, #tpu.memory_space<hbm>>
      %dma_wait3A_23 = tpu.memref_squeeze %dma_wait3A_22 : memref<1x157x64xi32, #tpu.memory_space<hbm>> -> memref<157x64xi32, #tpu.memory_space<hbm>>
      %dma_wait3A_24 = arith.constant 0 : i32
      %dma_wait3A_25 = arith.constant 0 : i32
      %dma_wait3A_26 = tpu.memref_slice %arg2[%add3A, %dma_wait3A_24, %dma_wait3A_25] : memref<32x157x64xi32, #tpu.memory_space<hbm>> -> memref<1x157x64xi32, #tpu.memory_space<hbm>>
      %dma_wait3A_27 = tpu.memref_squeeze %dma_wait3A_26 : memref<1x157x64xi32, #tpu.memory_space<hbm>> -> memref<157x64xi32, #tpu.memory_space<hbm>>
      tpu.wait_dma2 semaphore(%run_scoped3A : memref<!tpu.dma_semaphore, #tpu.memory_space<semaphore_mem>>) src(%dma_wait3A_27 : memref<157x64xi32, #tpu.memory_space<hbm>>) dst(%arg6 : memref<157x64xi32, #tpu.memory_space<vmem>>)
      tpu.yield
    }) : () -> ()
    %barrier3A = arith.constant 0 : index
    tpu.barrier barrier_id(%barrier3A)
    %scan3A = arith.constant 0 : i32
    %scan3A_5 = arith.constant 157 : i32
    %scan3A_6 = arith.addi %scan3A, %scan3A_5 : i32
    %scan3A_7 = arith.constant 1 : i32
    scf.for %scan3A_14 = %scan3A to %scan3A_6 step %scan3A_7  : i32 {
      %mul3A_15 = arith.constant 1 : i32
      %mul3A_16 = arith.muli %scan3A_14, %mul3A_15 : i32
      %add3A_17 = arith.constant 0 : i32
      %add3A_18 = arith.addi %add3A_17, %mul3A_16 : i32
      "tpu.region"() ({
        %run_scoped3A = tpu.sem_alloc : memref<!tpu.dma_semaphore, #tpu.memory_space<semaphore_mem>>
        %dma_start3A = arith.constant 0 : i32
        %dma_start3A_19 = tpu.memref_slice %arg6[%add3A_18, %dma_start3A] : memref<157x64xi32, #tpu.memory_space<vmem>> -> memref<1x64xi32, #tpu.memory_space<vmem>>
        %dma_start3A_20 = tpu.memref_squeeze %dma_start3A_19 : memref<1x64xi32, #tpu.memory_space<vmem>> -> memref<64xi32, #tpu.memory_space<vmem>>
        %dma_start3A_21 = arith.constant 0 : i32
        %dma_start3A_22 = arith.constant 0 : i32
        %dma_start3A_23 = tpu.memref_slice %arg8[%dma_start3A_21, %dma_start3A_22] : memref<10240x128xf32, #tpu.memory_space<vmem_shared>> -> memref<10240x128xf32, #tpu.memory_space<vmem_shared>>
        tpu.enqueue_indirect_dma source(%arg7 : memref<64x128xf32, #tpu.memory_space<vmem>>) target(%dma_start3A_23 : memref<10240x128xf32, #tpu.memory_space<vmem_shared>>) offsets(%dma_start3A_20 : memref<64xi32, #tpu.memory_space<vmem>>) semaphore(%run_scoped3A : memref<!tpu.dma_semaphore, #tpu.memory_space<semaphore_mem>>) {add = true}
        %dma_wait3A = arith.constant 0 : i32
        %dma_wait3A_24 = tpu.memref_slice %arg6[%add3A_18, %dma_wait3A] : memref<157x64xi32, #tpu.memory_space<vmem>> -> memref<1x64xi32, #tpu.memory_space<vmem>>
        %dma_wait3A_25 = tpu.memref_squeeze %dma_wait3A_24 : memref<1x64xi32, #tpu.memory_space<vmem>> -> memref<64xi32, #tpu.memory_space<vmem>>
        %dma_wait3A_26 = arith.constant 0 : i32
        %dma_wait3A_27 = arith.constant 0 : i32
        %dma_wait3A_28 = tpu.memref_slice %arg8[%dma_wait3A_26, %dma_wait3A_27] : memref<10240x128xf32, #tpu.memory_space<vmem_shared>> -> memref<10240x128xf32, #tpu.memory_space<vmem_shared>>
        tpu.wait_indirect_dma semaphore(%run_scoped3A : memref<!tpu.dma_semaphore, #tpu.memory_space<semaphore_mem>>) src(%arg7 : memref<64x128xf32, #tpu.memory_space<vmem>>) dst(%dma_wait3A_28 : memref<10240x128xf32, #tpu.memory_space<vmem_shared>>)
        tpu.yield
      }) : () -> ()
    }
    %scan3A_8 = arith.constant 157 : i32
    %barrier3A_9 = arith.constant 0 : index
    tpu.barrier barrier_id(%barrier3A_9)
    %mul3A_10 = arith.constant 640 : i32
    %mul3A_11 = arith.muli %arg1, %mul3A_10 : i32
    %mul3A_12 = arith.constant 640 : i32
    %mul3A_13 = arith.muli %arg1, %mul3A_12 : i32
    "tpu.region"() ({
      %run_scoped3A = tpu.sem_alloc : memref<!tpu.dma_semaphore, #tpu.memory_space<semaphore_mem>>
      %dma_start3A = arith.constant 0 : i32
      %dma_start3A_14 = tpu.memref_slice %arg5[%arg0, %mul3A_13, %dma_start3A] : memref<2x10240x128xf32, #tpu.memory_space<hbm>> -> memref<1x640x128xf32, #tpu.memory_space<hbm>>
      %dma_start3A_15 = tpu.memref_squeeze %dma_start3A_14 : memref<1x640x128xf32, #tpu.memory_space<hbm>> -> memref<640x128xf32, #tpu.memory_space<hbm>>
      %dma_start3A_16 = arith.constant 0 : i32
      %dma_start3A_17 = tpu.memref_slice %arg8[%mul3A_11, %dma_start3A_16] : memref<10240x128xf32, #tpu.memory_space<vmem_shared>> -> memref<640x128xf32, #tpu.memory_space<vmem_shared>>
      tpu.enqueue_dma source(%dma_start3A_17 : memref<640x128xf32, #tpu.memory_space<vmem_shared>>) target(%dma_start3A_15 : memref<640x128xf32, #tpu.memory_space<hbm>>) target_semaphore(%run_scoped3A : memref<!tpu.dma_semaphore, #tpu.memory_space<semaphore_mem>>)
      %dma_wait3A = arith.constant 0 : i32
      %dma_wait3A_18 = tpu.memref_slice %arg5[%arg0, %mul3A_13, %dma_wait3A] : memref<2x10240x128xf32, #tpu.memory_space<hbm>> -> memref<1x640x128xf32, #tpu.memory_space<hbm>>
      %dma_wait3A_19 = tpu.memref_squeeze %dma_wait3A_18 : memref<1x640x128xf32, #tpu.memory_space<hbm>> -> memref<640x128xf32, #tpu.memory_space<hbm>>
      %dma_wait3A_20 = arith.constant 0 : i32
      %dma_wait3A_21 = tpu.memref_slice %arg8[%mul3A_11, %dma_wait3A_20] : memref<10240x128xf32, #tpu.memory_space<vmem_shared>> -> memref<640x128xf32, #tpu.memory_space<vmem_shared>>
      tpu.wait_dma2 semaphore(%run_scoped3A : memref<!tpu.dma_semaphore, #tpu.memory_space<semaphore_mem>>) src(%dma_wait3A_21 : memref<640x128xf32, #tpu.memory_space<vmem_shared>>) dst(%dma_wait3A_19 : memref<640x128xf32, #tpu.memory_space<hbm>>)
      tpu.yield
    }) : () -> ()
    return
  }
}

#map = affine_map<(d0, d1) -> (0, 0)>
#map1 = affine_map<(d0, d1) -> (0, 0, 0)>
module attributes {stable_mosaic.version = 14 : i64} {
  func.func @agg_kernel(%arg0: i32, %arg1: i32, %arg2: memref<10000x128xf32, #tpu.memory_space<hbm>>, %arg3: memref<32x157x64xi32, #tpu.memory_space<hbm>>, %arg4: memref<32x157x64xi32, #tpu.memory_space<hbm>>, %arg5: memref<10240x128xf32, #tpu.memory_space<hbm>>, %arg6: memref<2x10240x128xf32, #tpu.memory_space<hbm>>, %arg7: memref<157x64xi32, #tpu.memory_space<vmem>>, %arg8: memref<157x64xi32, #tpu.memory_space<vmem>>, %arg9: memref<64x128xf32, #tpu.memory_space<vmem>>, %arg10: memref<10240x128xf32, #tpu.memory_space<vmem_shared>>) attributes {dimension_semantics = [#tpu.dimension_semantics<core_parallel>, #tpu.dimension_semantics<subcore_parallel>], iteration_bounds = array<i64: 2, 16>, scalar_prefetch = 0 : i64, scratch_operands = 4 : i64, tpu.core_type = #tpu.core_type<sc_vector_subcore>, window_params = [{transform_indices = #map}, {transform_indices = #map1}, {transform_indices = #map1}, {transform_indices = #map}, {transform_indices = #map1}]} {
    %mul3A = arith.constant 16 : i32
    %mul3A_0 = arith.muli %arg0, %mul3A : i32
    %add3A = arith.addi %mul3A_0, %arg1 : i32
    %mul3A_1 = arith.constant 640 : i32
    %mul3A_2 = arith.muli %arg1, %mul3A_1 : i32
    %mul3A_3 = arith.constant 640 : i32
    %mul3A_4 = arith.muli %arg1, %mul3A_3 : i32
    "tpu.region"() ({
      %run_scoped3A = tpu.sem_alloc : memref<!tpu.dma_semaphore, #tpu.memory_space<semaphore_mem>>
      %dma_start3A = arith.constant 0 : i32
      %dma_start3A_14 = tpu.memref_slice %arg10[%mul3A_4, %dma_start3A] : memref<10240x128xf32, #tpu.memory_space<vmem_shared>> -> memref<640x128xf32, #tpu.memory_space<vmem_shared>>
      %dma_start3A_15 = arith.constant 0 : i32
      %dma_start3A_16 = tpu.memref_slice %arg5[%mul3A_2, %dma_start3A_15] : memref<10240x128xf32, #tpu.memory_space<hbm>> -> memref<640x128xf32, #tpu.memory_space<hbm>>
      tpu.enqueue_dma source(%dma_start3A_16 : memref<640x128xf32, #tpu.memory_space<hbm>>) target(%dma_start3A_14 : memref<640x128xf32, #tpu.memory_space<vmem_shared>>) target_semaphore(%run_scoped3A : memref<!tpu.dma_semaphore, #tpu.memory_space<semaphore_mem>>)
      %dma_wait3A = arith.constant 0 : i32
      %dma_wait3A_17 = tpu.memref_slice %arg10[%mul3A_4, %dma_wait3A] : memref<10240x128xf32, #tpu.memory_space<vmem_shared>> -> memref<640x128xf32, #tpu.memory_space<vmem_shared>>
      %dma_wait3A_18 = arith.constant 0 : i32
      %dma_wait3A_19 = tpu.memref_slice %arg5[%mul3A_2, %dma_wait3A_18] : memref<10240x128xf32, #tpu.memory_space<hbm>> -> memref<640x128xf32, #tpu.memory_space<hbm>>
      tpu.wait_dma2 semaphore(%run_scoped3A : memref<!tpu.dma_semaphore, #tpu.memory_space<semaphore_mem>>) src(%dma_wait3A_19 : memref<640x128xf32, #tpu.memory_space<hbm>>) dst(%dma_wait3A_17 : memref<640x128xf32, #tpu.memory_space<vmem_shared>>)
      tpu.yield
    }) : () -> ()
    "tpu.region"() ({
      %run_scoped3A = tpu.sem_alloc : memref<!tpu.dma_semaphore, #tpu.memory_space<semaphore_mem>>
      %dma_start3A = arith.constant 0 : i32
      %dma_start3A_14 = arith.constant 0 : i32
      %dma_start3A_15 = tpu.memref_slice %arg3[%add3A, %dma_start3A, %dma_start3A_14] : memref<32x157x64xi32, #tpu.memory_space<hbm>> -> memref<1x157x64xi32, #tpu.memory_space<hbm>>
      %dma_start3A_16 = tpu.memref_squeeze %dma_start3A_15 : memref<1x157x64xi32, #tpu.memory_space<hbm>> -> memref<157x64xi32, #tpu.memory_space<hbm>>
      %dma_start3A_17 = arith.constant 0 : i32
      %dma_start3A_18 = arith.constant 0 : i32
      %dma_start3A_19 = tpu.memref_slice %arg3[%add3A, %dma_start3A_17, %dma_start3A_18] : memref<32x157x64xi32, #tpu.memory_space<hbm>> -> memref<1x157x64xi32, #tpu.memory_space<hbm>>
      %dma_start3A_20 = tpu.memref_squeeze %dma_start3A_19 : memref<1x157x64xi32, #tpu.memory_space<hbm>> -> memref<157x64xi32, #tpu.memory_space<hbm>>
      tpu.enqueue_dma source(%dma_start3A_20 : memref<157x64xi32, #tpu.memory_space<hbm>>) target(%arg7 : memref<157x64xi32, #tpu.memory_space<vmem>>) target_semaphore(%run_scoped3A : memref<!tpu.dma_semaphore, #tpu.memory_space<semaphore_mem>>)
      %dma_wait3A = arith.constant 0 : i32
      %dma_wait3A_21 = arith.constant 0 : i32
      %dma_wait3A_22 = tpu.memref_slice %arg3[%add3A, %dma_wait3A, %dma_wait3A_21] : memref<32x157x64xi32, #tpu.memory_space<hbm>> -> memref<1x157x64xi32, #tpu.memory_space<hbm>>
      %dma_wait3A_23 = tpu.memref_squeeze %dma_wait3A_22 : memref<1x157x64xi32, #tpu.memory_space<hbm>> -> memref<157x64xi32, #tpu.memory_space<hbm>>
      %dma_wait3A_24 = arith.constant 0 : i32
      %dma_wait3A_25 = arith.constant 0 : i32
      %dma_wait3A_26 = tpu.memref_slice %arg3[%add3A, %dma_wait3A_24, %dma_wait3A_25] : memref<32x157x64xi32, #tpu.memory_space<hbm>> -> memref<1x157x64xi32, #tpu.memory_space<hbm>>
      %dma_wait3A_27 = tpu.memref_squeeze %dma_wait3A_26 : memref<1x157x64xi32, #tpu.memory_space<hbm>> -> memref<157x64xi32, #tpu.memory_space<hbm>>
      tpu.wait_dma2 semaphore(%run_scoped3A : memref<!tpu.dma_semaphore, #tpu.memory_space<semaphore_mem>>) src(%dma_wait3A_27 : memref<157x64xi32, #tpu.memory_space<hbm>>) dst(%arg7 : memref<157x64xi32, #tpu.memory_space<vmem>>)
      tpu.yield
    }) : () -> ()
    "tpu.region"() ({
      %run_scoped3A = tpu.sem_alloc : memref<!tpu.dma_semaphore, #tpu.memory_space<semaphore_mem>>
      %dma_start3A = arith.constant 0 : i32
      %dma_start3A_14 = arith.constant 0 : i32
      %dma_start3A_15 = tpu.memref_slice %arg4[%add3A, %dma_start3A, %dma_start3A_14] : memref<32x157x64xi32, #tpu.memory_space<hbm>> -> memref<1x157x64xi32, #tpu.memory_space<hbm>>
      %dma_start3A_16 = tpu.memref_squeeze %dma_start3A_15 : memref<1x157x64xi32, #tpu.memory_space<hbm>> -> memref<157x64xi32, #tpu.memory_space<hbm>>
      %dma_start3A_17 = arith.constant 0 : i32
      %dma_start3A_18 = arith.constant 0 : i32
      %dma_start3A_19 = tpu.memref_slice %arg4[%add3A, %dma_start3A_17, %dma_start3A_18] : memref<32x157x64xi32, #tpu.memory_space<hbm>> -> memref<1x157x64xi32, #tpu.memory_space<hbm>>
      %dma_start3A_20 = tpu.memref_squeeze %dma_start3A_19 : memref<1x157x64xi32, #tpu.memory_space<hbm>> -> memref<157x64xi32, #tpu.memory_space<hbm>>
      tpu.enqueue_dma source(%dma_start3A_20 : memref<157x64xi32, #tpu.memory_space<hbm>>) target(%arg8 : memref<157x64xi32, #tpu.memory_space<vmem>>) target_semaphore(%run_scoped3A : memref<!tpu.dma_semaphore, #tpu.memory_space<semaphore_mem>>)
      %dma_wait3A = arith.constant 0 : i32
      %dma_wait3A_21 = arith.constant 0 : i32
      %dma_wait3A_22 = tpu.memref_slice %arg4[%add3A, %dma_wait3A, %dma_wait3A_21] : memref<32x157x64xi32, #tpu.memory_space<hbm>> -> memref<1x157x64xi32, #tpu.memory_space<hbm>>
      %dma_wait3A_23 = tpu.memref_squeeze %dma_wait3A_22 : memref<1x157x64xi32, #tpu.memory_space<hbm>> -> memref<157x64xi32, #tpu.memory_space<hbm>>
      %dma_wait3A_24 = arith.constant 0 : i32
      %dma_wait3A_25 = arith.constant 0 : i32
      %dma_wait3A_26 = tpu.memref_slice %arg4[%add3A, %dma_wait3A_24, %dma_wait3A_25] : memref<32x157x64xi32, #tpu.memory_space<hbm>> -> memref<1x157x64xi32, #tpu.memory_space<hbm>>
      %dma_wait3A_27 = tpu.memref_squeeze %dma_wait3A_26 : memref<1x157x64xi32, #tpu.memory_space<hbm>> -> memref<157x64xi32, #tpu.memory_space<hbm>>
      tpu.wait_dma2 semaphore(%run_scoped3A : memref<!tpu.dma_semaphore, #tpu.memory_space<semaphore_mem>>) src(%dma_wait3A_27 : memref<157x64xi32, #tpu.memory_space<hbm>>) dst(%arg8 : memref<157x64xi32, #tpu.memory_space<vmem>>)
      tpu.yield
    }) : () -> ()
    %barrier3A = arith.constant 0 : index
    tpu.barrier barrier_id(%barrier3A)
    %scan3A = arith.constant 0 : i32
    %scan3A_5 = arith.constant 157 : i32
    %scan3A_6 = arith.addi %scan3A, %scan3A_5 : i32
    %scan3A_7 = arith.constant 1 : i32
    scf.for %scan3A_14 = %scan3A to %scan3A_6 step %scan3A_7  : i32 {
      %mul3A_15 = arith.constant 1 : i32
      %mul3A_16 = arith.muli %scan3A_14, %mul3A_15 : i32
      %add3A_17 = arith.constant 0 : i32
      %add3A_18 = arith.addi %add3A_17, %mul3A_16 : i32
      "tpu.region"() ({
        %run_scoped3A = tpu.sem_alloc : memref<!tpu.dma_semaphore, #tpu.memory_space<semaphore_mem>>
        %dma_start3A = arith.constant 0 : i32
        %dma_start3A_19 = tpu.memref_slice %arg7[%add3A_18, %dma_start3A] : memref<157x64xi32, #tpu.memory_space<vmem>> -> memref<1x64xi32, #tpu.memory_space<vmem>>
        %dma_start3A_20 = tpu.memref_squeeze %dma_start3A_19 : memref<1x64xi32, #tpu.memory_space<vmem>> -> memref<64xi32, #tpu.memory_space<vmem>>
        %dma_start3A_21 = arith.constant 0 : i32
        %dma_start3A_22 = arith.constant 0 : i32
        %dma_start3A_23 = tpu.memref_slice %arg2[%dma_start3A_21, %dma_start3A_22] : memref<10000x128xf32, #tpu.memory_space<hbm>> -> memref<10000x128xf32, #tpu.memory_space<hbm>>
        tpu.enqueue_indirect_dma source(%dma_start3A_23 : memref<10000x128xf32, #tpu.memory_space<hbm>>) target(%arg9 : memref<64x128xf32, #tpu.memory_space<vmem>>) offsets(%dma_start3A_20 : memref<64xi32, #tpu.memory_space<vmem>>) semaphore(%run_scoped3A : memref<!tpu.dma_semaphore, #tpu.memory_space<semaphore_mem>>)
        %dma_wait3A = arith.constant 0 : i32
        %dma_wait3A_24 = tpu.memref_slice %arg7[%add3A_18, %dma_wait3A] : memref<157x64xi32, #tpu.memory_space<vmem>> -> memref<1x64xi32, #tpu.memory_space<vmem>>
        %dma_wait3A_25 = tpu.memref_squeeze %dma_wait3A_24 : memref<1x64xi32, #tpu.memory_space<vmem>> -> memref<64xi32, #tpu.memory_space<vmem>>
        %dma_wait3A_26 = arith.constant 0 : i32
        %dma_wait3A_27 = arith.constant 0 : i32
        %dma_wait3A_28 = tpu.memref_slice %arg2[%dma_wait3A_26, %dma_wait3A_27] : memref<10000x128xf32, #tpu.memory_space<hbm>> -> memref<10000x128xf32, #tpu.memory_space<hbm>>
        tpu.wait_indirect_dma semaphore(%run_scoped3A : memref<!tpu.dma_semaphore, #tpu.memory_space<semaphore_mem>>) src(%dma_wait3A_28 : memref<10000x128xf32, #tpu.memory_space<hbm>>) dst(%arg9 : memref<64x128xf32, #tpu.memory_space<vmem>>)
        tpu.yield
      }) : () -> ()
      "tpu.region"() ({
        %run_scoped3A = tpu.sem_alloc : memref<!tpu.dma_semaphore, #tpu.memory_space<semaphore_mem>>
        %dma_start3A = arith.constant 0 : i32
        %dma_start3A_19 = tpu.memref_slice %arg8[%add3A_18, %dma_start3A] : memref<157x64xi32, #tpu.memory_space<vmem>> -> memref<1x64xi32, #tpu.memory_space<vmem>>
        %dma_start3A_20 = tpu.memref_squeeze %dma_start3A_19 : memref<1x64xi32, #tpu.memory_space<vmem>> -> memref<64xi32, #tpu.memory_space<vmem>>
        %dma_start3A_21 = arith.constant 0 : i32
        %dma_start3A_22 = arith.constant 0 : i32
        %dma_start3A_23 = tpu.memref_slice %arg10[%dma_start3A_21, %dma_start3A_22] : memref<10240x128xf32, #tpu.memory_space<vmem_shared>> -> memref<10240x128xf32, #tpu.memory_space<vmem_shared>>
        tpu.enqueue_indirect_dma source(%arg9 : memref<64x128xf32, #tpu.memory_space<vmem>>) target(%dma_start3A_23 : memref<10240x128xf32, #tpu.memory_space<vmem_shared>>) offsets(%dma_start3A_20 : memref<64xi32, #tpu.memory_space<vmem>>) semaphore(%run_scoped3A : memref<!tpu.dma_semaphore, #tpu.memory_space<semaphore_mem>>) {add = true}
        %dma_wait3A = arith.constant 0 : i32
        %dma_wait3A_24 = tpu.memref_slice %arg8[%add3A_18, %dma_wait3A] : memref<157x64xi32, #tpu.memory_space<vmem>> -> memref<1x64xi32, #tpu.memory_space<vmem>>
        %dma_wait3A_25 = tpu.memref_squeeze %dma_wait3A_24 : memref<1x64xi32, #tpu.memory_space<vmem>> -> memref<64xi32, #tpu.memory_space<vmem>>
        %dma_wait3A_26 = arith.constant 0 : i32
        %dma_wait3A_27 = arith.constant 0 : i32
        %dma_wait3A_28 = tpu.memref_slice %arg10[%dma_wait3A_26, %dma_wait3A_27] : memref<10240x128xf32, #tpu.memory_space<vmem_shared>> -> memref<10240x128xf32, #tpu.memory_space<vmem_shared>>
        tpu.wait_indirect_dma semaphore(%run_scoped3A : memref<!tpu.dma_semaphore, #tpu.memory_space<semaphore_mem>>) src(%arg9 : memref<64x128xf32, #tpu.memory_space<vmem>>) dst(%dma_wait3A_28 : memref<10240x128xf32, #tpu.memory_space<vmem_shared>>)
        tpu.yield
      }) : () -> ()
    }
    %scan3A_8 = arith.constant 157 : i32
    %barrier3A_9 = arith.constant 0 : index
    tpu.barrier barrier_id(%barrier3A_9)
    %mul3A_10 = arith.constant 640 : i32
    %mul3A_11 = arith.muli %arg1, %mul3A_10 : i32
    %mul3A_12 = arith.constant 640 : i32
    %mul3A_13 = arith.muli %arg1, %mul3A_12 : i32
    "tpu.region"() ({
      %run_scoped3A = tpu.sem_alloc : memref<!tpu.dma_semaphore, #tpu.memory_space<semaphore_mem>>
      %dma_start3A = arith.constant 0 : i32
      %dma_start3A_14 = tpu.memref_slice %arg6[%arg0, %mul3A_13, %dma_start3A] : memref<2x10240x128xf32, #tpu.memory_space<hbm>> -> memref<1x640x128xf32, #tpu.memory_space<hbm>>
      %dma_start3A_15 = tpu.memref_squeeze %dma_start3A_14 : memref<1x640x128xf32, #tpu.memory_space<hbm>> -> memref<640x128xf32, #tpu.memory_space<hbm>>
      %dma_start3A_16 = arith.constant 0 : i32
      %dma_start3A_17 = tpu.memref_slice %arg10[%mul3A_11, %dma_start3A_16] : memref<10240x128xf32, #tpu.memory_space<vmem_shared>> -> memref<640x128xf32, #tpu.memory_space<vmem_shared>>
      tpu.enqueue_dma source(%dma_start3A_17 : memref<640x128xf32, #tpu.memory_space<vmem_shared>>) target(%dma_start3A_15 : memref<640x128xf32, #tpu.memory_space<hbm>>) target_semaphore(%run_scoped3A : memref<!tpu.dma_semaphore, #tpu.memory_space<semaphore_mem>>)
      %dma_wait3A = arith.constant 0 : i32
      %dma_wait3A_18 = tpu.memref_slice %arg6[%arg0, %mul3A_13, %dma_wait3A] : memref<2x10240x128xf32, #tpu.memory_space<hbm>> -> memref<1x640x128xf32, #tpu.memory_space<hbm>>
      %dma_wait3A_19 = tpu.memref_squeeze %dma_wait3A_18 : memref<1x640x128xf32, #tpu.memory_space<hbm>> -> memref<640x128xf32, #tpu.memory_space<hbm>>
      %dma_wait3A_20 = arith.constant 0 : i32
      %dma_wait3A_21 = tpu.memref_slice %arg10[%mul3A_11, %dma_wait3A_20] : memref<10240x128xf32, #tpu.memory_space<vmem_shared>> -> memref<640x128xf32, #tpu.memory_space<vmem_shared>>
      tpu.wait_dma2 semaphore(%run_scoped3A : memref<!tpu.dma_semaphore, #tpu.memory_space<semaphore_mem>>) src(%dma_wait3A_21 : memref<640x128xf32, #tpu.memory_space<vmem_shared>>) dst(%dma_wait3A_19 : memref<640x128xf32, #tpu.memory_space<hbm>>)
      tpu.yield
    }) : () -> ()
    return
  }
}

#map = affine_map<(d0, d1) -> (0, 0)>
#map1 = affine_map<(d0, d1) -> (0, 0, 0)>
module attributes {stable_mosaic.version = 14 : i64} {
  func.func @agg_kernel(%arg0: i32, %arg1: i32, %arg2: memref<10000x128xf32, #tpu.memory_space<hbm>>, %arg3: memref<32x157x64xi32, #tpu.memory_space<hbm>>, %arg4: memref<32x157x64xi32, #tpu.memory_space<hbm>>, %arg5: memref<10240x128xf32, #tpu.memory_space<hbm>>, %arg6: memref<2x10240x128xf32, #tpu.memory_space<hbm>>, %arg7: memref<157x64xi32, #tpu.memory_space<vmem>>, %arg8: memref<157x64xi32, #tpu.memory_space<vmem>>, %arg9: memref<64x128xf32, #tpu.memory_space<vmem>>, %arg10: memref<10240x128xf32, #tpu.memory_space<vmem_shared>>) attributes {dimension_semantics = [#tpu.dimension_semantics<core_parallel>, #tpu.dimension_semantics<subcore_parallel>], iteration_bounds = array<i64: 2, 16>, scalar_prefetch = 0 : i64, scratch_operands = 4 : i64, tpu.core_type = #tpu.core_type<sc_vector_subcore>, window_params = [{transform_indices = #map}, {transform_indices = #map1}, {transform_indices = #map1}, {transform_indices = #map}, {transform_indices = #map1}]} {
    %mul3A = arith.constant 16 : i32
    %mul3A_0 = arith.muli %arg0, %mul3A : i32
    %add3A = arith.addi %mul3A_0, %arg1 : i32
    %mul3A_1 = arith.constant 640 : i32
    %mul3A_2 = arith.muli %arg1, %mul3A_1 : i32
    %mul3A_3 = arith.constant 640 : i32
    %mul3A_4 = arith.muli %arg1, %mul3A_3 : i32
    "tpu.region"() ({
      %run_scoped3A = tpu.sem_alloc : memref<!tpu.dma_semaphore, #tpu.memory_space<semaphore_mem>>
      %dma_start3A = arith.constant 0 : i32
      %dma_start3A_14 = tpu.memref_slice %arg10[%mul3A_4, %dma_start3A] : memref<10240x128xf32, #tpu.memory_space<vmem_shared>> -> memref<640x128xf32, #tpu.memory_space<vmem_shared>>
      %dma_start3A_15 = arith.constant 0 : i32
      %dma_start3A_16 = tpu.memref_slice %arg5[%mul3A_2, %dma_start3A_15] : memref<10240x128xf32, #tpu.memory_space<hbm>> -> memref<640x128xf32, #tpu.memory_space<hbm>>
      tpu.enqueue_dma source(%dma_start3A_16 : memref<640x128xf32, #tpu.memory_space<hbm>>) target(%dma_start3A_14 : memref<640x128xf32, #tpu.memory_space<vmem_shared>>) target_semaphore(%run_scoped3A : memref<!tpu.dma_semaphore, #tpu.memory_space<semaphore_mem>>)
      %dma_wait3A = arith.constant 0 : i32
      %dma_wait3A_17 = tpu.memref_slice %arg10[%mul3A_4, %dma_wait3A] : memref<10240x128xf32, #tpu.memory_space<vmem_shared>> -> memref<640x128xf32, #tpu.memory_space<vmem_shared>>
      %dma_wait3A_18 = arith.constant 0 : i32
      %dma_wait3A_19 = tpu.memref_slice %arg5[%mul3A_2, %dma_wait3A_18] : memref<10240x128xf32, #tpu.memory_space<hbm>> -> memref<640x128xf32, #tpu.memory_space<hbm>>
      tpu.wait_dma2 semaphore(%run_scoped3A : memref<!tpu.dma_semaphore, #tpu.memory_space<semaphore_mem>>) src(%dma_wait3A_19 : memref<640x128xf32, #tpu.memory_space<hbm>>) dst(%dma_wait3A_17 : memref<640x128xf32, #tpu.memory_space<vmem_shared>>)
      tpu.yield
    }) : () -> ()
    "tpu.region"() ({
      %run_scoped3A = tpu.sem_alloc : memref<!tpu.dma_semaphore, #tpu.memory_space<semaphore_mem>>
      %dma_start3A = arith.constant 0 : i32
      %dma_start3A_14 = arith.constant 0 : i32
      %dma_start3A_15 = tpu.memref_slice %arg3[%add3A, %dma_start3A, %dma_start3A_14] : memref<32x157x64xi32, #tpu.memory_space<hbm>> -> memref<1x157x64xi32, #tpu.memory_space<hbm>>
      %dma_start3A_16 = tpu.memref_squeeze %dma_start3A_15 : memref<1x157x64xi32, #tpu.memory_space<hbm>> -> memref<157x64xi32, #tpu.memory_space<hbm>>
      %dma_start3A_17 = arith.constant 0 : i32
      %dma_start3A_18 = arith.constant 0 : i32
      %dma_start3A_19 = tpu.memref_slice %arg3[%add3A, %dma_start3A_17, %dma_start3A_18] : memref<32x157x64xi32, #tpu.memory_space<hbm>> -> memref<1x157x64xi32, #tpu.memory_space<hbm>>
      %dma_start3A_20 = tpu.memref_squeeze %dma_start3A_19 : memref<1x157x64xi32, #tpu.memory_space<hbm>> -> memref<157x64xi32, #tpu.memory_space<hbm>>
      tpu.enqueue_dma source(%dma_start3A_20 : memref<157x64xi32, #tpu.memory_space<hbm>>) target(%arg7 : memref<157x64xi32, #tpu.memory_space<vmem>>) target_semaphore(%run_scoped3A : memref<!tpu.dma_semaphore, #tpu.memory_space<semaphore_mem>>)
      %dma_wait3A = arith.constant 0 : i32
      %dma_wait3A_21 = arith.constant 0 : i32
      %dma_wait3A_22 = tpu.memref_slice %arg3[%add3A, %dma_wait3A, %dma_wait3A_21] : memref<32x157x64xi32, #tpu.memory_space<hbm>> -> memref<1x157x64xi32, #tpu.memory_space<hbm>>
      %dma_wait3A_23 = tpu.memref_squeeze %dma_wait3A_22 : memref<1x157x64xi32, #tpu.memory_space<hbm>> -> memref<157x64xi32, #tpu.memory_space<hbm>>
      %dma_wait3A_24 = arith.constant 0 : i32
      %dma_wait3A_25 = arith.constant 0 : i32
      %dma_wait3A_26 = tpu.memref_slice %arg3[%add3A, %dma_wait3A_24, %dma_wait3A_25] : memref<32x157x64xi32, #tpu.memory_space<hbm>> -> memref<1x157x64xi32, #tpu.memory_space<hbm>>
      %dma_wait3A_27 = tpu.memref_squeeze %dma_wait3A_26 : memref<1x157x64xi32, #tpu.memory_space<hbm>> -> memref<157x64xi32, #tpu.memory_space<hbm>>
      tpu.wait_dma2 semaphore(%run_scoped3A : memref<!tpu.dma_semaphore, #tpu.memory_space<semaphore_mem>>) src(%dma_wait3A_27 : memref<157x64xi32, #tpu.memory_space<hbm>>) dst(%arg7 : memref<157x64xi32, #tpu.memory_space<vmem>>)
      tpu.yield
    }) : () -> ()
    "tpu.region"() ({
      %run_scoped3A = tpu.sem_alloc : memref<!tpu.dma_semaphore, #tpu.memory_space<semaphore_mem>>
      %dma_start3A = arith.constant 0 : i32
      %dma_start3A_14 = arith.constant 0 : i32
      %dma_start3A_15 = tpu.memref_slice %arg4[%add3A, %dma_start3A, %dma_start3A_14] : memref<32x157x64xi32, #tpu.memory_space<hbm>> -> memref<1x157x64xi32, #tpu.memory_space<hbm>>
      %dma_start3A_16 = tpu.memref_squeeze %dma_start3A_15 : memref<1x157x64xi32, #tpu.memory_space<hbm>> -> memref<157x64xi32, #tpu.memory_space<hbm>>
      %dma_start3A_17 = arith.constant 0 : i32
      %dma_start3A_18 = arith.constant 0 : i32
      %dma_start3A_19 = tpu.memref_slice %arg4[%add3A, %dma_start3A_17, %dma_start3A_18] : memref<32x157x64xi32, #tpu.memory_space<hbm>> -> memref<1x157x64xi32, #tpu.memory_space<hbm>>
      %dma_start3A_20 = tpu.memref_squeeze %dma_start3A_19 : memref<1x157x64xi32, #tpu.memory_space<hbm>> -> memref<157x64xi32, #tpu.memory_space<hbm>>
      tpu.enqueue_dma source(%dma_start3A_20 : memref<157x64xi32, #tpu.memory_space<hbm>>) target(%arg8 : memref<157x64xi32, #tpu.memory_space<vmem>>) target_semaphore(%run_scoped3A : memref<!tpu.dma_semaphore, #tpu.memory_space<semaphore_mem>>)
      %dma_wait3A = arith.constant 0 : i32
      %dma_wait3A_21 = arith.constant 0 : i32
      %dma_wait3A_22 = tpu.memref_slice %arg4[%add3A, %dma_wait3A, %dma_wait3A_21] : memref<32x157x64xi32, #tpu.memory_space<hbm>> -> memref<1x157x64xi32, #tpu.memory_space<hbm>>
      %dma_wait3A_23 = tpu.memref_squeeze %dma_wait3A_22 : memref<1x157x64xi32, #tpu.memory_space<hbm>> -> memref<157x64xi32, #tpu.memory_space<hbm>>
      %dma_wait3A_24 = arith.constant 0 : i32
      %dma_wait3A_25 = arith.constant 0 : i32
      %dma_wait3A_26 = tpu.memref_slice %arg4[%add3A, %dma_wait3A_24, %dma_wait3A_25] : memref<32x157x64xi32, #tpu.memory_space<hbm>> -> memref<1x157x64xi32, #tpu.memory_space<hbm>>
      %dma_wait3A_27 = tpu.memref_squeeze %dma_wait3A_26 : memref<1x157x64xi32, #tpu.memory_space<hbm>> -> memref<157x64xi32, #tpu.memory_space<hbm>>
      tpu.wait_dma2 semaphore(%run_scoped3A : memref<!tpu.dma_semaphore, #tpu.memory_space<semaphore_mem>>) src(%dma_wait3A_27 : memref<157x64xi32, #tpu.memory_space<hbm>>) dst(%arg8 : memref<157x64xi32, #tpu.memory_space<vmem>>)
      tpu.yield
    }) : () -> ()
    %barrier3A = arith.constant 0 : index
    tpu.barrier barrier_id(%barrier3A)
    %scan3A = arith.constant 0 : i32
    %scan3A_5 = arith.constant 157 : i32
    %scan3A_6 = arith.addi %scan3A, %scan3A_5 : i32
    %scan3A_7 = arith.constant 1 : i32
    scf.for %scan3A_14 = %scan3A to %scan3A_6 step %scan3A_7  : i32 {
      %mul3A_15 = arith.constant 1 : i32
      %mul3A_16 = arith.muli %scan3A_14, %mul3A_15 : i32
      %add3A_17 = arith.constant 0 : i32
      %add3A_18 = arith.addi %add3A_17, %mul3A_16 : i32
      "tpu.region"() ({
        %run_scoped3A = tpu.sem_alloc : memref<!tpu.dma_semaphore, #tpu.memory_space<semaphore_mem>>
        %dma_start3A = arith.constant 0 : i32
        %dma_start3A_19 = tpu.memref_slice %arg7[%add3A_18, %dma_start3A] : memref<157x64xi32, #tpu.memory_space<vmem>> -> memref<1x64xi32, #tpu.memory_space<vmem>>
        %dma_start3A_20 = tpu.memref_squeeze %dma_start3A_19 : memref<1x64xi32, #tpu.memory_space<vmem>> -> memref<64xi32, #tpu.memory_space<vmem>>
        %dma_start3A_21 = arith.constant 0 : i32
        %dma_start3A_22 = arith.constant 0 : i32
        %dma_start3A_23 = tpu.memref_slice %arg2[%dma_start3A_21, %dma_start3A_22] : memref<10000x128xf32, #tpu.memory_space<hbm>> -> memref<10000x128xf32, #tpu.memory_space<hbm>>
        tpu.enqueue_indirect_dma source(%dma_start3A_23 : memref<10000x128xf32, #tpu.memory_space<hbm>>) target(%arg9 : memref<64x128xf32, #tpu.memory_space<vmem>>) offsets(%dma_start3A_20 : memref<64xi32, #tpu.memory_space<vmem>>) semaphore(%run_scoped3A : memref<!tpu.dma_semaphore, #tpu.memory_space<semaphore_mem>>)
        %dma_wait3A = arith.constant 0 : i32
        %dma_wait3A_24 = tpu.memref_slice %arg7[%add3A_18, %dma_wait3A] : memref<157x64xi32, #tpu.memory_space<vmem>> -> memref<1x64xi32, #tpu.memory_space<vmem>>
        %dma_wait3A_25 = tpu.memref_squeeze %dma_wait3A_24 : memref<1x64xi32, #tpu.memory_space<vmem>> -> memref<64xi32, #tpu.memory_space<vmem>>
        %dma_wait3A_26 = arith.constant 0 : i32
        %dma_wait3A_27 = arith.constant 0 : i32
        %dma_wait3A_28 = tpu.memref_slice %arg2[%dma_wait3A_26, %dma_wait3A_27] : memref<10000x128xf32, #tpu.memory_space<hbm>> -> memref<10000x128xf32, #tpu.memory_space<hbm>>
        tpu.wait_indirect_dma semaphore(%run_scoped3A : memref<!tpu.dma_semaphore, #tpu.memory_space<semaphore_mem>>) src(%dma_wait3A_28 : memref<10000x128xf32, #tpu.memory_space<hbm>>) dst(%arg9 : memref<64x128xf32, #tpu.memory_space<vmem>>)
        tpu.yield
      }) : () -> ()
      "tpu.region"() ({
        %run_scoped3A = tpu.sem_alloc : memref<!tpu.dma_semaphore, #tpu.memory_space<semaphore_mem>>
        %dma_start3A = arith.constant 0 : i32
        %dma_start3A_19 = tpu.memref_slice %arg8[%add3A_18, %dma_start3A] : memref<157x64xi32, #tpu.memory_space<vmem>> -> memref<1x64xi32, #tpu.memory_space<vmem>>
        %dma_start3A_20 = tpu.memref_squeeze %dma_start3A_19 : memref<1x64xi32, #tpu.memory_space<vmem>> -> memref<64xi32, #tpu.memory_space<vmem>>
        %dma_start3A_21 = arith.constant 0 : i32
        %dma_start3A_22 = arith.constant 0 : i32
        %dma_start3A_23 = tpu.memref_slice %arg10[%dma_start3A_21, %dma_start3A_22] : memref<10240x128xf32, #tpu.memory_space<vmem_shared>> -> memref<10240x128xf32, #tpu.memory_space<vmem_shared>>
        tpu.enqueue_indirect_dma source(%arg9 : memref<64x128xf32, #tpu.memory_space<vmem>>) target(%dma_start3A_23 : memref<10240x128xf32, #tpu.memory_space<vmem_shared>>) offsets(%dma_start3A_20 : memref<64xi32, #tpu.memory_space<vmem>>) semaphore(%run_scoped3A : memref<!tpu.dma_semaphore, #tpu.memory_space<semaphore_mem>>) {add = true}
        %dma_wait3A = arith.constant 0 : i32
        %dma_wait3A_24 = tpu.memref_slice %arg8[%add3A_18, %dma_wait3A] : memref<157x64xi32, #tpu.memory_space<vmem>> -> memref<1x64xi32, #tpu.memory_space<vmem>>
        %dma_wait3A_25 = tpu.memref_squeeze %dma_wait3A_24 : memref<1x64xi32, #tpu.memory_space<vmem>> -> memref<64xi32, #tpu.memory_space<vmem>>
        %dma_wait3A_26 = arith.constant 0 : i32
        %dma_wait3A_27 = arith.constant 0 : i32
        %dma_wait3A_28 = tpu.memref_slice %arg10[%dma_wait3A_26, %dma_wait3A_27] : memref<10240x128xf32, #tpu.memory_space<vmem_shared>> -> memref<10240x128xf32, #tpu.memory_space<vmem_shared>>
        tpu.wait_indirect_dma semaphore(%run_scoped3A : memref<!tpu.dma_semaphore, #tpu.memory_space<semaphore_mem>>) src(%arg9 : memref<64x128xf32, #tpu.memory_space<vmem>>) dst(%dma_wait3A_28 : memref<10240x128xf32, #tpu.memory_space<vmem_shared>>)
        tpu.yield
      }) : () -> ()
    }
    %scan3A_8 = arith.constant 157 : i32
    %barrier3A_9 = arith.constant 0 : index
    tpu.barrier barrier_id(%barrier3A_9)
    %mul3A_10 = arith.constant 640 : i32
    %mul3A_11 = arith.muli %arg1, %mul3A_10 : i32
    %mul3A_12 = arith.constant 640 : i32
    %mul3A_13 = arith.muli %arg1, %mul3A_12 : i32
    "tpu.region"() ({
      %run_scoped3A = tpu.sem_alloc : memref<!tpu.dma_semaphore, #tpu.memory_space<semaphore_mem>>
      %dma_start3A = arith.constant 0 : i32
      %dma_start3A_14 = tpu.memref_slice %arg6[%arg0, %mul3A_13, %dma_start3A] : memref<2x10240x128xf32, #tpu.memory_space<hbm>> -> memref<1x640x128xf32, #tpu.memory_space<hbm>>
      %dma_start3A_15 = tpu.memref_squeeze %dma_start3A_14 : memref<1x640x128xf32, #tpu.memory_space<hbm>> -> memref<640x128xf32, #tpu.memory_space<hbm>>
      %dma_start3A_16 = arith.constant 0 : i32
      %dma_start3A_17 = tpu.memref_slice %arg10[%mul3A_11, %dma_start3A_16] : memref<10240x128xf32, #tpu.memory_space<vmem_shared>> -> memref<640x128xf32, #tpu.memory_space<vmem_shared>>
      tpu.enqueue_dma source(%dma_start3A_17 : memref<640x128xf32, #tpu.memory_space<vmem_shared>>) target(%dma_start3A_15 : memref<640x128xf32, #tpu.memory_space<hbm>>) target_semaphore(%run_scoped3A : memref<!tpu.dma_semaphore, #tpu.memory_space<semaphore_mem>>)
      %dma_wait3A = arith.constant 0 : i32
      %dma_wait3A_18 = tpu.memref_slice %arg6[%arg0, %mul3A_13, %dma_wait3A] : memref<2x10240x128xf32, #tpu.memory_space<hbm>> -> memref<1x640x128xf32, #tpu.memory_space<hbm>>
      %dma_wait3A_19 = tpu.memref_squeeze %dma_wait3A_18 : memref<1x640x128xf32, #tpu.memory_space<hbm>> -> memref<640x128xf32, #tpu.memory_space<hbm>>
      %dma_wait3A_20 = arith.constant 0 : i32
      %dma_wait3A_21 = tpu.memref_slice %arg10[%mul3A_11, %dma_wait3A_20] : memref<10240x128xf32, #tpu.memory_space<vmem_shared>> -> memref<640x128xf32, #tpu.memory_space<vmem_shared>>
      tpu.wait_dma2 semaphore(%run_scoped3A : memref<!tpu.dma_semaphore, #tpu.memory_space<semaphore_mem>>) src(%dma_wait3A_21 : memref<640x128xf32, #tpu.memory_space<vmem_shared>>) dst(%dma_wait3A_19 : memref<640x128xf32, #tpu.memory_space<hbm>>)
      tpu.yield
    }) : () -> ()
    return
  }
}

module attributes {stable_mosaic.version = 14 : i64} {
  func.func @body(%arg0: memref<10000x128xf32, #tpu.memory_space<vmem>>, %arg1: memref<1x128xf32, #tpu.memory_space<vmem>>, %arg2: memref<1x128xf32, #tpu.memory_space<vmem>>, %arg3: memref<128x128xf32, #tpu.memory_space<vmem>>, %arg4: memref<1x128xf32, #tpu.memory_space<vmem>>, %arg5: memref<10000x128xf32, #tpu.memory_space<vmem>>) attributes {dimension_semantics = [], scalar_prefetch = 0 : i64, scratch_operands = 0 : i64, tpu.core_type = #tpu.core_type<tc>} {
    %get3A = arith.constant 0 : index
    %get3A_0 = arith.constant 0 : index
    %get3A_1 = vector.load %arg0[%get3A, %get3A_0] : memref<10000x128xf32, #tpu.memory_space<vmem>>, vector<10000x128xf32>
    %get3A_2 = arith.constant 0 : index
    %get3A_3 = arith.constant 0 : index
    %get3A_4 = vector.load %arg1[%get3A_2, %get3A_3] : memref<1x128xf32, #tpu.memory_space<vmem>>, vector<1x128xf32>
    %get3A_5 = arith.constant 0 : index
    %get3A_6 = arith.constant 0 : index
    %get3A_7 = vector.load %arg2[%get3A_5, %get3A_6] : memref<1x128xf32, #tpu.memory_space<vmem>>, vector<1x128xf32>
    %reduce_sum3A = arith.constant dense<0.000000e+00> : vector<128xf32>
    %reduce_sum3A_8 = vector.multi_reduction <add>, %get3A_1, %reduce_sum3A [0] : vector<10000x128xf32> to vector<128xf32>
    %broadcast_in_dim3A = vector.shape_cast %reduce_sum3A_8 : vector<128xf32> to vector<1x128xf32>
    %div3A = arith.constant 1.000000e+04 : f32
    %div3A_9 = vector.broadcast %div3A : f32 to vector<1x128xf32>
    %div3A_10 = arith.divf %broadcast_in_dim3A, %div3A_9 : vector<1x128xf32>
    %sub3A = vector.broadcast %div3A_10 : vector<1x128xf32> to vector<10000x128xf32>
    %sub3A_11 = arith.subf %get3A_1, %sub3A : vector<10000x128xf32>
    %integer_pow3A = arith.mulf %sub3A_11, %sub3A_11 : vector<10000x128xf32>
    %reduce_sum3A_12 = arith.constant dense<0.000000e+00> : vector<128xf32>
    %reduce_sum3A_13 = vector.multi_reduction <add>, %integer_pow3A, %reduce_sum3A_12 [0] : vector<10000x128xf32> to vector<128xf32>
    %broadcast_in_dim3A_14 = vector.shape_cast %reduce_sum3A_13 : vector<128xf32> to vector<1x128xf32>
    %div3A_15 = arith.constant 1.000000e+04 : f32
    %div3A_16 = vector.broadcast %div3A_15 : f32 to vector<1x128xf32>
    %div3A_17 = arith.divf %broadcast_in_dim3A_14, %div3A_16 : vector<1x128xf32>
    %sub3A_18 = vector.broadcast %div3A_10 : vector<1x128xf32> to vector<10000x128xf32>
    %sub3A_19 = arith.subf %get3A_1, %sub3A_18 : vector<10000x128xf32>
    %add3A = arith.constant 9.99999974E-6 : f32
    %add3A_20 = vector.broadcast %add3A : f32 to vector<1x128xf32>
    %add3A_21 = arith.addf %div3A_17, %add3A_20 : vector<1x128xf32>
    %sqrt3A = math.sqrt %add3A_21 : vector<1x128xf32>
    %div3A_22 = vector.broadcast %sqrt3A : vector<1x128xf32> to vector<10000x128xf32>
    %div3A_23 = arith.divf %sub3A_19, %div3A_22 : vector<10000x128xf32>
    %mul3A = vector.broadcast %get3A_4 : vector<1x128xf32> to vector<10000x128xf32>
    %mul3A_24 = arith.mulf %div3A_23, %mul3A : vector<10000x128xf32>
    %add3A_25 = vector.broadcast %get3A_7 : vector<1x128xf32> to vector<10000x128xf32>
    %add3A_26 = arith.addf %mul3A_24, %add3A_25 : vector<10000x128xf32>
    %get3A_27 = arith.constant 0 : index
    %get3A_28 = arith.constant 0 : index
    %get3A_29 = vector.load %arg3[%get3A_27, %get3A_28] : memref<128x128xf32, #tpu.memory_space<vmem>>, vector<128x128xf32>
    %dot_general3A = arith.constant dense<0.000000e+00> : vector<10000x128xf32>
    %dot_general3A_30 = tpu.matmul %add3A_26, %get3A_29, %dot_general3A {dimension_numbers = #tpu.dot_dimension_numbers<[1], [0], [0], [1], [0, 0, 1, 1], [], []>, transpose_lhs_hint = false} : vector<10000x128xf32>, vector<128x128xf32>, vector<10000x128xf32> -> vector<10000x128xf32>
    %get3A_31 = arith.constant 0 : index
    %get3A_32 = arith.constant 0 : index
    %get3A_33 = vector.load %arg4[%get3A_31, %get3A_32] : memref<1x128xf32, #tpu.memory_space<vmem>>, vector<1x128xf32>
    %add3A_34 = vector.broadcast %get3A_33 : vector<1x128xf32> to vector<10000x128xf32>
    %add3A_35 = arith.addf %dot_general3A_30, %add3A_34 : vector<10000x128xf32>
    %max3A = arith.constant 0.000000e+00 : f32
    %max3A_36 = vector.broadcast %max3A : f32 to vector<10000x128xf32>
    %max3A_37 = arith.maximumf %add3A_35, %max3A_36 : vector<10000x128xf32>
    %swap3A = arith.constant 0 : index
    %swap3A_38 = arith.constant 0 : index
    %swap3A_39 = vector.load %arg5[%swap3A, %swap3A_38] : memref<10000x128xf32, #tpu.memory_space<vmem>>, vector<10000x128xf32>
    tpu.vector_store %arg5[%swap3A, %swap3A_38], %max3A_37 {strides = array<i32>} : memref<10000x128xf32, #tpu.memory_space<vmem>>, vector<10000x128xf32>,
    return
  }
}

module attributes {stable_mosaic.version = 14 : i64} {
  func.func @body(%arg0: memref<10000x128xf32, #tpu.memory_space<vmem>>, %arg1: memref<2x10240x128xf32, #tpu.memory_space<vmem>>, %arg2: memref<1x128xf32, #tpu.memory_space<vmem>>, %arg3: memref<1x128xf32, #tpu.memory_space<vmem>>, %arg4: memref<128x128xf32, #tpu.memory_space<vmem>>, %arg5: memref<10000x128xf32, #tpu.memory_space<vmem>>, %arg6: memref<10000x1xf32, #tpu.memory_space<vmem>>) attributes {dimension_semantics = [], scalar_prefetch = 0 : i64, scratch_operands = 0 : i64, tpu.core_type = #tpu.core_type<tc>} {
    %get3A = arith.constant 0 : index
    %get3A_0 = arith.constant 0 : index
    %get3A_1 = arith.constant 0 : index
    %get3A_2 = vector.load %arg1[%get3A, %get3A_0, %get3A_1] : memref<2x10240x128xf32, #tpu.memory_space<vmem>>, vector<1x10000x1xf32>
    %get3A_3 = vector.shape_cast %get3A_2 : vector<1x10000x1xf32> to vector<10000x1xf32>
    %get3A_4 = arith.constant 1 : index
    %get3A_5 = arith.constant 0 : index
    %get3A_6 = arith.constant 0 : index
    %get3A_7 = vector.load %arg1[%get3A_4, %get3A_5, %get3A_6] : memref<2x10240x128xf32, #tpu.memory_space<vmem>>, vector<1x10000x1xf32>
    %get3A_8 = vector.shape_cast %get3A_7 : vector<1x10000x1xf32> to vector<10000x1xf32>
    %add3A = arith.addf %get3A_3, %get3A_8 : vector<10000x1xf32>
    %add3A_9 = arith.constant 1.000000e+00 : f32
    %add3A_10 = vector.broadcast %add3A_9 : f32 to vector<10000x1xf32>
    %add3A_11 = arith.addf %add3A, %add3A_10 : vector<10000x1xf32>
    %max3A = arith.constant 1.000000e+00 : f32
    %max3A_12 = vector.broadcast %max3A : f32 to vector<10000x1xf32>
    %max3A_13 = arith.maximumf %add3A_11, %max3A_12 : vector<10000x1xf32>
    %rsqrt3A = math.rsqrt %max3A_13 : vector<10000x1xf32>
    %swap3A = arith.constant 0 : index
    %swap3A_14 = arith.constant 0 : index
    %swap3A_15 = vector.load %arg6[%swap3A, %swap3A_14] : memref<10000x1xf32, #tpu.memory_space<vmem>>, vector<10000x1xf32>
    tpu.vector_store %arg6[%swap3A, %swap3A_14], %rsqrt3A {strides = array<i32>} : memref<10000x1xf32, #tpu.memory_space<vmem>>, vector<10000x1xf32>,
    %get3A_16 = arith.constant 0 : index
    %get3A_17 = arith.constant 0 : index
    %get3A_18 = vector.load %arg0[%get3A_16, %get3A_17] : memref<10000x128xf32, #tpu.memory_space<vmem>>, vector<10000x128xf32>
    %get3A_19 = arith.constant 0 : index
    %get3A_20 = arith.constant 0 : index
    %get3A_21 = vector.load %arg2[%get3A_19, %get3A_20] : memref<1x128xf32, #tpu.memory_space<vmem>>, vector<1x128xf32>
    %get3A_22 = arith.constant 0 : index
    %get3A_23 = arith.constant 0 : index
    %get3A_24 = vector.load %arg3[%get3A_22, %get3A_23] : memref<1x128xf32, #tpu.memory_space<vmem>>, vector<1x128xf32>
    %reduce_sum3A = arith.constant dense<0.000000e+00> : vector<128xf32>
    %reduce_sum3A_25 = vector.multi_reduction <add>, %get3A_18, %reduce_sum3A [0] : vector<10000x128xf32> to vector<128xf32>
    %broadcast_in_dim3A = vector.shape_cast %reduce_sum3A_25 : vector<128xf32> to vector<1x128xf32>
    %div3A = arith.constant 1.000000e+04 : f32
    %div3A_26 = vector.broadcast %div3A : f32 to vector<1x128xf32>
    %div3A_27 = arith.divf %broadcast_in_dim3A, %div3A_26 : vector<1x128xf32>
    %sub3A = vector.broadcast %div3A_27 : vector<1x128xf32> to vector<10000x128xf32>
    %sub3A_28 = arith.subf %get3A_18, %sub3A : vector<10000x128xf32>
    %integer_pow3A = arith.mulf %sub3A_28, %sub3A_28 : vector<10000x128xf32>
    %reduce_sum3A_29 = arith.constant dense<0.000000e+00> : vector<128xf32>
    %reduce_sum3A_30 = vector.multi_reduction <add>, %integer_pow3A, %reduce_sum3A_29 [0] : vector<10000x128xf32> to vector<128xf32>
    %broadcast_in_dim3A_31 = vector.shape_cast %reduce_sum3A_30 : vector<128xf32> to vector<1x128xf32>
    %div3A_32 = arith.constant 1.000000e+04 : f32
    %div3A_33 = vector.broadcast %div3A_32 : f32 to vector<1x128xf32>
    %div3A_34 = arith.divf %broadcast_in_dim3A_31, %div3A_33 : vector<1x128xf32>
    %sub3A_35 = vector.broadcast %div3A_27 : vector<1x128xf32> to vector<10000x128xf32>
    %sub3A_36 = arith.subf %get3A_18, %sub3A_35 : vector<10000x128xf32>
    %add3A_37 = arith.constant 9.99999974E-6 : f32
    %add3A_38 = vector.broadcast %add3A_37 : f32 to vector<1x128xf32>
    %add3A_39 = arith.addf %div3A_34, %add3A_38 : vector<1x128xf32>
    %sqrt3A = math.sqrt %add3A_39 : vector<1x128xf32>
    %div3A_40 = vector.broadcast %sqrt3A : vector<1x128xf32> to vector<10000x128xf32>
    %div3A_41 = arith.divf %sub3A_36, %div3A_40 : vector<10000x128xf32>
    %mul3A = vector.broadcast %get3A_21 : vector<1x128xf32> to vector<10000x128xf32>
    %mul3A_42 = arith.mulf %div3A_41, %mul3A : vector<10000x128xf32>
    %add3A_43 = vector.broadcast %get3A_24 : vector<1x128xf32> to vector<10000x128xf32>
    %add3A_44 = arith.addf %mul3A_42, %add3A_43 : vector<10000x128xf32>
    %get3A_45 = arith.constant 0 : index
    %get3A_46 = arith.constant 0 : index
    %get3A_47 = vector.load %arg4[%get3A_45, %get3A_46] : memref<128x128xf32, #tpu.memory_space<vmem>>, vector<128x128xf32>
    %dot_general3A = arith.constant dense<0.000000e+00> : vector<10000x128xf32>
    %dot_general3A_48 = tpu.matmul %add3A_44, %get3A_47, %dot_general3A {dimension_numbers = #tpu.dot_dimension_numbers<[1], [0], [0], [1], [0, 0, 1, 1], [], []>, transpose_lhs_hint = false} : vector<10000x128xf32>, vector<128x128xf32>, vector<10000x128xf32> -> vector<10000x128xf32>
    %mul3A_49 = vector.broadcast %rsqrt3A : vector<10000x1xf32> to vector<10000x128xf32>
    %mul3A_50 = arith.mulf %dot_general3A_48, %mul3A_49 : vector<10000x128xf32>
    %swap3A_51 = arith.constant 0 : index
    %swap3A_52 = arith.constant 0 : index
    %swap3A_53 = vector.load %arg5[%swap3A_51, %swap3A_52] : memref<10000x128xf32, #tpu.memory_space<vmem>>, vector<10000x128xf32>
    tpu.vector_store %arg5[%swap3A_51, %swap3A_52], %mul3A_50 {strides = array<i32>} : memref<10000x128xf32, #tpu.memory_space<vmem>>, vector<10000x128xf32>,
    return
  }
}

module attributes {stable_mosaic.version = 14 : i64} {
  func.func @body(%arg0: memref<2x10240x128xf32, #tpu.memory_space<vmem>>, %arg1: memref<10000x128xf32, #tpu.memory_space<vmem>>, %arg2: memref<10000x1xf32, #tpu.memory_space<vmem>>, %arg3: memref<1x128xf32, #tpu.memory_space<vmem>>, %arg4: memref<1x128xf32, #tpu.memory_space<vmem>>, %arg5: memref<1x128xf32, #tpu.memory_space<vmem>>, %arg6: memref<128x128xf32, #tpu.memory_space<vmem>>, %arg7: memref<10000x128xf32, #tpu.memory_space<vmem>>) attributes {dimension_semantics = [], scalar_prefetch = 0 : i64, scratch_operands = 0 : i64, tpu.core_type = #tpu.core_type<tc>} {
    %get3A = arith.constant 0 : index
    %get3A_0 = arith.constant 0 : index
    %get3A_1 = vector.load %arg2[%get3A, %get3A_0] : memref<10000x1xf32, #tpu.memory_space<vmem>>, vector<10000x1xf32>
    %get3A_2 = arith.constant 0 : index
    %get3A_3 = arith.constant 0 : index
    %get3A_4 = arith.constant 0 : index
    %get3A_5 = vector.load %arg0[%get3A_2, %get3A_3, %get3A_4] : memref<2x10240x128xf32, #tpu.memory_space<vmem>>, vector<1x10000x128xf32>
    %get3A_6 = vector.shape_cast %get3A_5 : vector<1x10000x128xf32> to vector<10000x128xf32>
    %get3A_7 = arith.constant 1 : index
    %get3A_8 = arith.constant 0 : index
    %get3A_9 = arith.constant 0 : index
    %get3A_10 = vector.load %arg0[%get3A_7, %get3A_8, %get3A_9] : memref<2x10240x128xf32, #tpu.memory_space<vmem>>, vector<1x10000x128xf32>
    %get3A_11 = vector.shape_cast %get3A_10 : vector<1x10000x128xf32> to vector<10000x128xf32>
    %add3A = arith.addf %get3A_6, %get3A_11 : vector<10000x128xf32>
    %get3A_12 = arith.constant 0 : index
    %get3A_13 = arith.constant 0 : index
    %get3A_14 = vector.load %arg1[%get3A_12, %get3A_13] : memref<10000x128xf32, #tpu.memory_space<vmem>>, vector<10000x128xf32>
    %add3A_15 = arith.addf %add3A, %get3A_14 : vector<10000x128xf32>
    %mul3A = vector.broadcast %get3A_1 : vector<10000x1xf32> to vector<10000x128xf32>
    %mul3A_16 = arith.mulf %mul3A, %add3A_15 : vector<10000x128xf32>
    %get3A_17 = arith.constant 0 : index
    %get3A_18 = arith.constant 0 : index
    %get3A_19 = vector.load %arg3[%get3A_17, %get3A_18] : memref<1x128xf32, #tpu.memory_space<vmem>>, vector<1x128xf32>
    %add3A_20 = vector.broadcast %get3A_19 : vector<1x128xf32> to vector<10000x128xf32>
    %add3A_21 = arith.addf %mul3A_16, %add3A_20 : vector<10000x128xf32>
    %max3A = arith.constant 0.000000e+00 : f32
    %max3A_22 = vector.broadcast %max3A : f32 to vector<10000x128xf32>
    %max3A_23 = arith.maximumf %add3A_21, %max3A_22 : vector<10000x128xf32>
    %get3A_24 = arith.constant 0 : index
    %get3A_25 = arith.constant 0 : index
    %get3A_26 = vector.load %arg4[%get3A_24, %get3A_25] : memref<1x128xf32, #tpu.memory_space<vmem>>, vector<1x128xf32>
    %get3A_27 = arith.constant 0 : index
    %get3A_28 = arith.constant 0 : index
    %get3A_29 = vector.load %arg5[%get3A_27, %get3A_28] : memref<1x128xf32, #tpu.memory_space<vmem>>, vector<1x128xf32>
    %reduce_sum3A = arith.constant dense<0.000000e+00> : vector<128xf32>
    %reduce_sum3A_30 = vector.multi_reduction <add>, %max3A_23, %reduce_sum3A [0] : vector<10000x128xf32> to vector<128xf32>
    %broadcast_in_dim3A = vector.shape_cast %reduce_sum3A_30 : vector<128xf32> to vector<1x128xf32>
    %div3A = arith.constant 1.000000e+04 : f32
    %div3A_31 = vector.broadcast %div3A : f32 to vector<1x128xf32>
    %div3A_32 = arith.divf %broadcast_in_dim3A, %div3A_31 : vector<1x128xf32>
    %sub3A = vector.broadcast %div3A_32 : vector<1x128xf32> to vector<10000x128xf32>
    %sub3A_33 = arith.subf %max3A_23, %sub3A : vector<10000x128xf32>
    %integer_pow3A = arith.mulf %sub3A_33, %sub3A_33 : vector<10000x128xf32>
    %reduce_sum3A_34 = arith.constant dense<0.000000e+00> : vector<128xf32>
    %reduce_sum3A_35 = vector.multi_reduction <add>, %integer_pow3A, %reduce_sum3A_34 [0] : vector<10000x128xf32> to vector<128xf32>
    %broadcast_in_dim3A_36 = vector.shape_cast %reduce_sum3A_35 : vector<128xf32> to vector<1x128xf32>
    %div3A_37 = arith.constant 1.000000e+04 : f32
    %div3A_38 = vector.broadcast %div3A_37 : f32 to vector<1x128xf32>
    %div3A_39 = arith.divf %broadcast_in_dim3A_36, %div3A_38 : vector<1x128xf32>
    %sub3A_40 = vector.broadcast %div3A_32 : vector<1x128xf32> to vector<10000x128xf32>
    %sub3A_41 = arith.subf %max3A_23, %sub3A_40 : vector<10000x128xf32>
    %add3A_42 = arith.constant 9.99999974E-6 : f32
    %add3A_43 = vector.broadcast %add3A_42 : f32 to vector<1x128xf32>
    %add3A_44 = arith.addf %div3A_39, %add3A_43 : vector<1x128xf32>
    %sqrt3A = math.sqrt %add3A_44 : vector<1x128xf32>
    %div3A_45 = vector.broadcast %sqrt3A : vector<1x128xf32> to vector<10000x128xf32>
    %div3A_46 = arith.divf %sub3A_41, %div3A_45 : vector<10000x128xf32>
    %mul3A_47 = vector.broadcast %get3A_26 : vector<1x128xf32> to vector<10000x128xf32>
    %mul3A_48 = arith.mulf %div3A_46, %mul3A_47 : vector<10000x128xf32>
    %add3A_49 = vector.broadcast %get3A_29 : vector<1x128xf32> to vector<10000x128xf32>
    %add3A_50 = arith.addf %mul3A_48, %add3A_49 : vector<10000x128xf32>
    %get3A_51 = arith.constant 0 : index
    %get3A_52 = arith.constant 0 : index
    %get3A_53 = vector.load %arg6[%get3A_51, %get3A_52] : memref<128x128xf32, #tpu.memory_space<vmem>>, vector<128x128xf32>
    %dot_general3A = arith.constant dense<0.000000e+00> : vector<10000x128xf32>
    %dot_general3A_54 = tpu.matmul %add3A_50, %get3A_53, %dot_general3A {dimension_numbers = #tpu.dot_dimension_numbers<[1], [0], [0], [1], [0, 0, 1, 1], [], []>, transpose_lhs_hint = false} : vector<10000x128xf32>, vector<128x128xf32>, vector<10000x128xf32> -> vector<10000x128xf32>
    %mul3A_55 = vector.broadcast %get3A_1 : vector<10000x1xf32> to vector<10000x128xf32>
    %mul3A_56 = arith.mulf %dot_general3A_54, %mul3A_55 : vector<10000x128xf32>
    %swap3A = arith.constant 0 : index
    %swap3A_57 = arith.constant 0 : index
    %swap3A_58 = vector.load %arg7[%swap3A, %swap3A_57] : memref<10000x128xf32, #tpu.memory_space<vmem>>, vector<10000x128xf32>
    tpu.vector_store %arg7[%swap3A, %swap3A_57], %mul3A_56 {strides = array<i32>} : memref<10000x128xf32, #tpu.memory_space<vmem>>, vector<10000x128xf32>,
    return
  }
}

module attributes {stable_mosaic.version = 14 : i64} {
  func.func @body(%arg0: memref<2x10240x128xf32, #tpu.memory_space<vmem>>, %arg1: memref<10000x128xf32, #tpu.memory_space<vmem>>, %arg2: memref<10000x1xf32, #tpu.memory_space<vmem>>, %arg3: memref<1x128xf32, #tpu.memory_space<vmem>>, %arg4: memref<1x10000xi32, #tpu.memory_space<vmem>>, %arg5: memref<64x128xf32, #tpu.memory_space<vmem>>) attributes {dimension_semantics = [], scalar_prefetch = 0 : i64, scratch_operands = 0 : i64, tpu.core_type = #tpu.core_type<tc>} {
    %get3A = arith.constant 0 : index
    %get3A_0 = arith.constant 0 : index
    %get3A_1 = vector.load %arg2[%get3A, %get3A_0] : memref<10000x1xf32, #tpu.memory_space<vmem>>, vector<10000x1xf32>
    %get3A_2 = arith.constant 0 : index
    %get3A_3 = arith.constant 0 : index
    %get3A_4 = arith.constant 0 : index
    %get3A_5 = vector.load %arg0[%get3A_2, %get3A_3, %get3A_4] : memref<2x10240x128xf32, #tpu.memory_space<vmem>>, vector<1x10000x128xf32>
    %get3A_6 = vector.shape_cast %get3A_5 : vector<1x10000x128xf32> to vector<10000x128xf32>
    %get3A_7 = arith.constant 1 : index
    %get3A_8 = arith.constant 0 : index
    %get3A_9 = arith.constant 0 : index
    %get3A_10 = vector.load %arg0[%get3A_7, %get3A_8, %get3A_9] : memref<2x10240x128xf32, #tpu.memory_space<vmem>>, vector<1x10000x128xf32>
    %get3A_11 = vector.shape_cast %get3A_10 : vector<1x10000x128xf32> to vector<10000x128xf32>
    %add3A = arith.addf %get3A_6, %get3A_11 : vector<10000x128xf32>
    %get3A_12 = arith.constant 0 : index
    %get3A_13 = arith.constant 0 : index
    %get3A_14 = vector.load %arg1[%get3A_12, %get3A_13] : memref<10000x128xf32, #tpu.memory_space<vmem>>, vector<10000x128xf32>
    %add3A_15 = arith.addf %add3A, %get3A_14 : vector<10000x128xf32>
    %mul3A = vector.broadcast %get3A_1 : vector<10000x1xf32> to vector<10000x128xf32>
    %mul3A_16 = arith.mulf %mul3A, %add3A_15 : vector<10000x128xf32>
    %get3A_17 = arith.constant 0 : index
    %get3A_18 = arith.constant 0 : index
    %get3A_19 = vector.load %arg3[%get3A_17, %get3A_18] : memref<1x128xf32, #tpu.memory_space<vmem>>, vector<1x128xf32>
    %add3A_20 = vector.broadcast %get3A_19 : vector<1x128xf32> to vector<10000x128xf32>
    %add3A_21 = arith.addf %mul3A_16, %add3A_20 : vector<10000x128xf32>
    %max3A = arith.constant 0.000000e+00 : f32
    %max3A_22 = vector.broadcast %max3A : f32 to vector<10000x128xf32>
    %max3A_23 = arith.maximumf %add3A_21, %max3A_22 : vector<10000x128xf32>
    %iota3A = tpu.iota {dimensions = array<i32: 0>} : vector<64x10000xi32>
    %get3A_24 = arith.constant 0 : index
    %get3A_25 = arith.constant 0 : index
    %get3A_26 = vector.load %arg4[%get3A_24, %get3A_25] : memref<1x10000xi32, #tpu.memory_space<vmem>>, vector<1x10000xi32>
    %eq3A = vector.broadcast %get3A_26 : vector<1x10000xi32> to vector<64x10000xi32>
    %eq3A_27 = arith.cmpi eq, %iota3A, %eq3A : vector<64x10000xi32>
    %convert_element_type3A = arith.extui %eq3A_27 : vector<64x10000xi1> to vector<64x10000xi32>
    %convert_element_type3A_28 = arith.sitofp %convert_element_type3A : vector<64x10000xi32> to vector<64x10000xf32>
    %dot_general3A = arith.constant dense<0.000000e+00> : vector<64x128xf32>
    %dot_general3A_29 = tpu.matmul %convert_element_type3A_28, %max3A_23, %dot_general3A {dimension_numbers = #tpu.dot_dimension_numbers<[1], [0], [0], [1], [0, 0, 1, 1], [], []>, precision = #tpu.contract_precision<fp32>, transpose_lhs_hint = false} : vector<64x10000xf32>, vector<10000x128xf32>, vector<64x128xf32> -> vector<64x128xf32>
    %swap3A = arith.constant 0 : index
    %swap3A_30 = arith.constant 0 : index
    %swap3A_31 = vector.load %arg5[%swap3A, %swap3A_30] : memref<64x128xf32, #tpu.memory_space<vmem>>, vector<64x128xf32>
    tpu.vector_store %arg5[%swap3A, %swap3A_30], %dot_general3A_29 {strides = array<i32>} : memref<64x128xf32, #tpu.memory_space<vmem>>, vector<64x128xf32>,
    return
  }
}

</mosaic_0001>

<sc_bundles>
// kernel: kernel.11.cloned.1.call-start
scs
__scs_entry_jumppad:
0x0: {  	(pc) =	sbr.rel $0x88, $3  }
0x1: {  	(tag) =	ssettag $0x0;
	lr =	simm.s32 $0x1  }
0x2: {  	[smem:$0x3F96] =	sst lr;
	_ =	strace $0xD0000000  }
0x3: {  	_ = 	snop  }
0x4: {  	_ = 	snop  }
0x5: {  	_ = 	snop  }
0x6: {  	_ = 	snop  }
0x7: {  	_ = 	snop  }
__scs_overlays_trampoline_lowered:
0x8: {  	[smem:$0x3FA5] =	sst s0  }
0x9: {  	[smem:$0x3FA6] =	sst s1  }
0xa: {  	[smem:$0x3FA7] =	sst s2  }
0xb: {  	[smem:$0x3FA8] =	sst s3  }
0xc: {  	[smem:$0x3FA9] =	sst s4  }
0xd: {  	[smem:$0x3FAA] =	sst s5  }
0xe: {  	[smem:$0x3FAB] =	sst s6  }
0xf: {  	[smem:$0x3FAC] =	sst s7  }
0x10: {  	[smem:$0x3FAD] =	sst s8  }
0x11: {  	[smem:$0x3FAE] =	sst s9;
	s0 =	simm.s32 @!p0 $0x0  }
0x12: {  	s1 =	sld [smem:$0x3F94];
	s0 =	simm.s32 @p0 $0x1  }
0x13: {  	[smem:$0x3FAF] =	sst s0;
	s0 =	simm.s32 @!p1 $0x0  }
0x14: {  	s2 =	sld [smem:$0x3F93];
	s0 =	simm.s32 @p1 $0x1  }
0x15: {  	[smem:$0x3FB0] =	sst s0;
	s0 =	simm.s32 @!p2 $0x0  }
0x16: {  	s3 =	sld [smem:$0x3FDB];
	s0 =	simm.s32 @p2 $0x1  }
0x17: {  	s4 =	simm.s32 $0x1BF5;
	[smem:$0x3FB2] =	sst s0  }
0x18: {  	s0 =	sld [smem:$0x3F95];
	_ =	swait.ge [sflag:s4], $0x0  }
0x19: {  	s7 =	sld [smem:$0x3F96]  }
0x1a: {  	s8 =	sadd.s32 $0xFFFFE003, lr  }
0x1b: {  	s9 =	sadd.s32 $0xFFFFFEF7, lr;
	s5 =	simm.s32 $0xFFFFFFFF;
	p2 =	slt.u32 s8, $0xFFFFF086  }
0x1c: {  	p1 =	slt.u32 s9, $0xF7A;
	s5 =	simm.s32 @!p2 $0x0  }
0x1d: {  	s5 =	simm.s32 @p1 $0x1;
	p0 =	seq.s32 s7, s2  }
0x1e: {  	s7 =	smul.u32 @!p0 $0xF7A, s2;
	p2 =	seq.s32 @!p0 s5, $0x0  }
0x1f: {  	s9 =	smul.u32 $0xF7A, s1;
	s8 =	simm.s32 @!p0 $0x1BF5;
	p2 =	por !p2, p0  }
0x20: {  	[sflag:s8] =	ssyncset.s32 @!p0 $0xFFFFF086;
	s6 =	sadd.s32 @!p0 s3, s7;
	s7 =	simm.s32 @!p0 $0x108  }
0x21: {  	s3 =	sadd.s32 s3, s9;
	s6 =	sadd.s32 @!p0 $0x88, s6;
	s7 =	simm.s32 @p2 $0x1082  }
0x22: {  	[simem:s7], [sflag:s8] =	dma.local @!p0 [hbm:s6], $0xF7A  }
0x23: {  	s9 =	sor.u32 $0xD0000000, s2;
	s6 =	simm.s32 $0x108;
	_ =	swait.ge @!p0 [sflag:s8], $0x0  }
0x24: {  	s3 =	sadd.s32 $0x88, s3;
	s6 =	simm.s32 @!p1 $0x1082;
	[sflag:s4] =	ssyncset.s32 $0xFFFFF086  }
0x25: {  	[simem:s6], [sflag:s4] =	dma.local [hbm:s3], $0xF7A  }
0x26: {  	[smem:$0x3F96] =	sst s1;
	(tag) =	ssettag s2;
	_ =	strace s9  }
0x27: {  	s1 =	sld [smem:$0x3FA6]  }
0x28: {  	s2 =	sld [smem:$0x3FA7]  }
0x29: {  	s4 =	sld [smem:$0x3FA9]  }
0x2a: {  	p0 =	seq.s32 s5, $0x0;
	s5 =	sld [smem:$0x3FAA]  }
0x2b: {  	s6 =	sld [smem:$0x3FAB]  }
0x2c: {  	s7 =	sld [smem:$0x3FAC]  }
0x2d: {  	s3 =	simm.s32 $0x108;
	s8 =	sld [smem:$0x3FAD]  }
0x2e: {  	s3 =	simm.s32 @!p0 $0x1082;
	s9 =	sld [smem:$0x3FAE]  }
0x2f: {  	lr =	sadd.s32 s0, s3;
	s0 =	sld [smem:$0x3FA5]  }
0x30: {  	s3 =	sld [smem:$0x3FA8]  }
0x31: {  	[smem:$0x3FB1] =	sst s10  }
0x32: {  	s10 =	sld [smem:$0x3FAF];
	_ =	sdelay $0x3  }
0x33: {  	p0 =	seq.s32 s10, $0x1;
	s10 =	sld [smem:$0x3FB1];
	_ =	sdelay $0x3  }
0x34: {  	[smem:$0x3FB1] =	sst s10  }
0x35: {  	s10 =	sld [smem:$0x3FB0];
	_ =	sdelay $0x3  }
0x36: {  	p1 =	seq.s32 s10, $0x1;
	s10 =	sld [smem:$0x3FB1];
	_ =	sdelay $0x3  }
0x37: {  	[smem:$0x3FB1] =	sst s10  }
0x38: {  	s10 =	sld [smem:$0x3FB2]  }
0x39: {  	_ = 	snop;
	(pc) =	sbr.ind lr, $3  }
0x3a: {  	_ = 	snop  }
0x3b: {  	_ = 	snop  }
0x3c: {  	p2 =	seq.s32 s10, $0x1;
	s10 =	sld [smem:$0x3FB1]  }
0x3d: {  	_ =	shalt  }
0x3e: {  	_ =	shalt  }
0x3f: {  	_ =	shalt  }
0x40: {  	_ =	shalt  }
0x41: {  	_ =	shalt  }
0x42: {  	_ =	shalt  }
0x43: {  	_ =	shalt  }
0x44: {  	_ =	shalt  }
0x45: {  	_ =	shalt  }
0x46: {  	_ =	shalt  }
0x47: {  	_ =	shalt  }
0x48: {  	_ =	shalt  }
0x49: {  	_ =	shalt  }
0x4a: {  	_ =	shalt  }
0x4b: {  	_ =	shalt  }
0x4c: {  	_ =	shalt  }
0x4d: {  	_ =	shalt  }
0x4e: {  	_ =	shalt  }
0x4f: {  	_ =	shalt  }
0x50: {  	_ =	shalt  }
0x51: {  	_ =	shalt  }
0x52: {  	_ =	shalt  }
0x53: {  	_ =	shalt  }
0x54: {  	_ =	shalt  }
0x55: {  	_ =	shalt  }
0x56: {  	_ =	shalt  }
0x57: {  	_ =	shalt  }
0x58: {  	_ =	shalt  }
0x59: {  	_ =	shalt  }
0x5a: {  	_ =	shalt  }
0x5b: {  	_ =	shalt  }
0x5c: {  	_ =	shalt  }
0x5d: {  	_ =	shalt  }
0x5e: {  	_ =	shalt  }
0x5f: {  	_ =	shalt  }
0x60: {  	_ =	shalt  }
0x61: {  	_ =	shalt  }
0x62: {  	_ =	shalt  }
0x63: {  	_ =	shalt  }
0x64: {  	_ =	shalt  }
0x65: {  	_ =	shalt  }
0x66: {  	_ =	shalt  }
0x67: {  	_ =	shalt  }
0x68: {  	_ =	shalt  }
0x69: {  	_ =	shalt  }
0x6a: {  	_ =	shalt  }
0x6b: {  	_ =	shalt  }
0x6c: {  	_ =	shalt  }
0x6d: {  	_ =	shalt  }
0x6e: {  	_ =	shalt  }
0x6f: {  	_ =	shalt  }
0x70: {  	_ =	shalt  }
0x71: {  	_ =	shalt  }
0x72: {  	_ =	shalt  }
0x73: {  	_ =	shalt  }
0x74: {  	_ =	shalt  }
0x75: {  	_ =	shalt  }
0x76: {  	_ =	shalt  }
0x77: {  	_ =	shalt  }
0x78: {  	_ =	shalt  }
0x79: {  	_ =	shalt  }
0x7a: {  	_ =	shalt  }
0x7b: {  	_ =	shalt  }
0x7c: {  	_ =	shalt  }
0x7d: {  	_ =	shalt  }
0x7e: {  	_ =	shalt  }
0x7f: {  	_ =	shalt  }
0x80: {  	_ =	shalt  }
0x81: {  	_ =	shalt  }
0x82: {  	_ =	shalt  }
0x83: {  	_ =	shalt  }
0x84: {  	_ =	shalt  }
0x85: {  	_ =	shalt  }
0x86: {  	_ =	shalt  }
0x87: {  	_ =	shalt  }
.Lfunc_end0:
.L_simem_size_0:
called_computation_lowered:
.L_overlay_start_0:
0x88: {  	s2 =	sld [smem:$0x3FD9]  }
0x89: {  	s3 =	sld [smem:$0x3FFE];
	_ =	sdelay $0x1  }
0x8a: {  	s1 =	srdreg.scid  }
0x8b: {  	s0 =	sand.u32 $0x1, s1  }
0x8c: {  	s17 =	sshll.u32 s0, $0xA;
	s2 =	sadd.s32 s3, s2  }
0x8d: {  	s2 =	sadd.s32 s2, s17  }
0x8e: {  	[smem:$0x3FBD] =	sst s2  }
0x8f: {  	_ = 	snop  }
0x90: {  	s2 =	sld [smem:$0x3FD0];
	(tm) =	ssettm $0x1  }
0x91: {  	s18 =	sld [smem:$0x3FFB];
	_ =	sdelay $0x3  }
0x92: {  	_ =	strace s18  }
0x93: {  	s3 =	sld [smem:$0x3FFC];
	_ =	sdelay $0x3  }
0x94: {  	_ =	strace s3  }
0x95: {  	s3 =	sld [smem:$0x3FFD];
	_ =	sdelay $0x3  }
0x96: {  	_ =	strace s3  }
0x97: {  	_ =	strace $0x8FFFFFFF  }
0x98: {  	s19 =	sld [smem:$0x3FDB];
	_ =	sdelay $0x1  }
0x99: {  	s4 =	simm.s32 $_scs_section_size  }
0x9a: {  	s5 =	simm.s32 $_size__tile_overlayer_lowered;
	s6 =	simm.s32 $_tile_overlayer_lowered  }
0x9b: {  	s22 =	simm.s32 $0x1BFF;
	s21 =	sshll.u32 s6, $0x1;
	s3 =	sadd.s32 s4, s19  }
0x9c: {  	s7 =	simm.s32 $0x0;
	s20 =	sshll.u32 s5, $0x1;
	s5 =	sadd.s32 s21, s3  }
0x9d: {  	[timem:s7], [sflag:s22] =	dma.local [hbm:s5], s20  }
0x9e: {  	_ =	swait.ge [sflag:s22], s20  }
0x9f: {  	s4 =	ssub.s32 $0x0, s20;
	[sflag:s22] =	ssyncset.done $0x0  }
0xa0: {  	[sflag:s22] =	ssyncadd.s32 s4;
	_ =	sdelay $0x1  }
0xa1: {  	s23 =	simm.s32 $0x1B8B  }
0xa2: {  	_ =	swait.ge [sflag:s23], $0x1  }
0xa3: {  	[sflag:s23] =	ssyncset.done $0x0  }
0xa4: {  	s25 =	simm.s32 $0x1B8E;
	s24 =	sld [smem:$0x3FFE];
	[sflag:s23] =	ssyncadd.s32 $0xFFFFFFFF  }
0xa5: {  	s26 =	simm.s32 $execute0_lowered;
	[smem:$0x3FD2] =	sst s25  }
0xa6: {  	s5 =	sshll.u32 s26, $0x1;
	_ =	strace $0x80000046;
	[dreg:$0x1] =	wrdreg $0xFFFFFFFF  }
0xa7: {  	s28 =	simm.s32 $_size_execute0_lowered;
	s3 =	sadd.s32 s3, s5;
	[dreg:$0x0] =	wrdreg $0x0  }
0xa8: {  	s5 =	sshll.u32 s28, $0x1;
	[dreg:$0x2] =	wrdreg s3  }
0xa9: {  	[dreg:$0x3] =	wrdreg s5  }
0xaa: {  	[dreg:$0x4] =	wrdreg $0xC0  }
0xab: {  	_ =	task [dreg:s7], $0x5FFFF  }
0xac: {  	[dreg:$0x1] =	wrdreg $0xFFFFFFFF  }
0xad: {  	[dreg:$0x0] =	wrdreg $0x60  }
0xae: {  	[dreg:$0x2] =	wrdreg s24  }
0xaf: {  	[dreg:$0x3] =	wrdreg s2  }
0xb0: {  	[dreg:$0x4] =	wrdreg $0x70000  }
0xb1: {  	[dreg:$0x5] =	wrdreg $0x9  }
0xb2: {  	_ =	task.clear_ibuf [dreg:s7], $0x6FFFF;
	_ =	strace $0x90000046  }
0xb3: {  	s29 =	simm.s32 $0x9;
	_ =	strace $0x80000048  }
0xb4: {  	_ =	swait.ge [sflag:s29], $0x1  }
0xb5: {  	[sflag:s29] =	ssyncadd.s32 $0xFFFFFFFF  }
0xb6: {  	_ =	strace $0x90000048  }
0xb7: {  	_ =	sfence  }
0xb8: {  	s30 =	sld [smem:$0x0];
	_ =	sdelay $0x2  }
0xb9: {  	s31 =	sshll.u32 s1, $0xD;
	s1 =	sshrl.u32 s1, $0x2  }
0xba: {  	s3 =	sand.u32 $0x4000, s31;
	s1 =	sadd.s32 s1, s30  }
0xbb: {  	s0 =	sor.u32 s3, s0;
	s1 =	sshll.u32 s1, $0x11  }
0xbc: {  	s0 =	sor.u32 s1, s0  }
0xbd: {  	s0 =	sadd.s32 $0x8F2B, s0  }
0xbe: {  	[sflag:s0] =	ssyncadd.remote.s32 $0x1  }
0xbf: {  	_ =	sfence.sel $0xFFFF  }
0xc0: {  	[dreg:$0x0] =	wrdreg $0xFFFFFFFF;
	(pc) =	sbr.abs _section_cstart, $3  }
0xc1: {  	[dreg:$0x1] =	wrdreg $0xFFFFFFFF  }
0xc2: {  	_ =	task.clear_ibuf [dreg:s7], $0x2FFFF;
	_ =	strace $0x9FFFFFFF  }
0xc3: {  	(tm) =	ssettm $0x7FFFFFFF  }
tec
execute0_lowered:
.L_overlay_start_1:
0x0: {  	(tag) =	ssettag $0x1  }
0x1: {  	s6 =	rddreg [dreg:$0x0]  }
0x2: {  	s2 =	rddreg [dreg:$0x1]  }
0x3: {  	s0 =	srdreg.scid;
	s3 =	rddreg [dreg:$0x2];
	s4 =	simm.s32 $0x0  }
0x4: {  	s13 =	simm.s32 $0x40;
	s5 =	sand.u32 $0x1, s0;
	s0 =	stileid.u32  }
0x5: {  	s14 =	simm.s32 $0x0;
	[smem:$0x7FF] =	sst s4;
	s8 =	smul.u32 $0x14000, s0  }
0x6: {  	s1 =	sshll.u32 s5, $0x4;
	s9 =	smul.u32 $0x140000, s5;
	s5 =	ssub.s32 $0x2, s5  }
0x7: {  	s29 =	smul.u32 $0x50000, s0;
	s31 =	sshll.u32 s0, $0x6;
	s1 =	sor.u32 s0, s1  }
0x8: {  	s11 =	sshrl.u32 s5, $0x1;
	s7 =	smul.u32 $0xA00, s1;
	s1 =	rddreg [dreg:$0x3]  }
0x9: {  	_ =	strace $0x80000047;
	s10 =	sshrl.u32 s8, $0x3;
	s8 =	sadd.s32 s8, s9  }
0xa: {  	s11 =	ssub.s32 s5, s11;
	s30 =	sshrl.u32 s29, $0x2;
	s10 =	sadd.s32 s10, s6  }
0xb: {  	s8 =	sshrl.u32 s8, $0x3;
	s12 =	sadd.s32 s30, s3;
	s9 =	smax.u32 s11, $0x1  }
0xc: {  	s11 =	simm.s32 $0x1;
	s7 =	sadd.s32 s7, s6;
	s8 =	sadd.s32 s8, s6  }
0xd: {  	s5 =	sadd.s32 $0x17E00, s10;
	s6 =	sor.u32 $0x1C01, s31;
	s10 =	sshrl.u32 s12, $0x3  }
0xe: {  	s12 =	simm.s32 $0x5000;
	s7 =	sadd.s32 $0x3E00, s7;
	s8 =	sadd.s32 $0x3FE00, s8  }
.LBB2_1:
0xf: {  	[spmem:s10], [sflag:s6] =	dma.local [hbm:s5], $0x2800  }
0x10: {  	_ =	swait.ge [sflag:s11], $0x2800  }
0x11: {  	[sflag:s11] =	ssyncset.done $0x0  }
0x12: {  	[sflag:s11] =	ssyncadd.s32 $0xFFFFD800  }
0x13: {  	[tilespmem:s12], [sflag:$0x1] =	stream.linear.gather [hbm4b:s2+s4], $0x2000, $0x38;
	[tilespmem:$0x1B000] =	vst v63  }
0x14: {  	_ =	swait.ge [sflag:s11], $0x2000  }
0x15: {  	[sflag:s11] =	ssyncset.done $0x0  }
0x16: {  	[sflag:s11] =	ssyncadd.s32 $0xFFFFE000  }
0x17: {  	[tilespmem:s4], [sflag:$0x1] =	stream.linear.gather [hbm4b:s7+s4], $0x4E80, $0x38;
	[tilespmem:$0x1B000] =	vst v63  }
0x18: {  	_ =	swait.ge [sflag:s11], $0x4E80  }
0x19: {  	[sflag:s11] =	ssyncset.done $0x0  }
0x1a: {  	[sflag:s11] =	ssyncadd.s32 $0xFFFFB180  }
0x1b: {  	s15 =	simm.s32 $0x0;
	[bflag:$0x0] =	sbarrier.arrive $0xFFFF  }
0x1c: {  	[spmem:s3] =	stream.indirect.scatter.add.f32 [tilespmem:s12], [sflag:$0x1], $0x80, s15, s13, $0xb8;
	[tilespmem:$0x1B000] =	vst v63  }
0x1d: {  	_ =	swait.ge [sflag:s11], $0x2000  }
0x1e: {  	s15 =	simm.s32 $0x200;
	[sflag:s11] =	ssyncset.done $0x0  }
.LBB2_2:
0x1f: {  	s16 =	sshra.s32 s15, $0x2;
	[sflag:s11] =	ssyncadd.s32 $0xFFFFE000;
	p0 =	sne.s32 s15, $0x13800  }
0x20: {  	[spmem:s3] =	stream.indirect.scatter.add.f32 [tilespmem:s12], [sflag:$0x1], $0x80, s16, s13, $0xb8;
	[tilespmem:$0x1B000] =	vst v63  }
.Ltmp0:
0x21: {  	_ = 	snop;
	(pc) =	sbr.rel @p0 .LBB2_2-.Ltmp0, $4  }
0x22: {  	_ = 	snop  }
0x23: {  	s15 =	sadd.s32 $0x200, s15  }
0x24: {  	_ =	swait.ge [sflag:s11], $0x2000  }
0x25: {  	[sflag:s11] =	ssyncset.done $0x0  }
0x26: {  	s14 =	sadd.s32 $0x1, s14  }
0x27: {  	[sflag:s11] =	ssyncadd.s32 $0xFFFFE000;
	p0 =	sne.s32 s14, s9  }
.Ltmp1:
0x28: {  	[bflag:$0x0] =	sbarrier.arrive $0xFFFF;
	(pc) =	sbr.rel @p0 .LBB2_1-.Ltmp1, $4  }
0x29: {  	[hbm:s8], [sflag:s6] =	dma.local [spmem:s10], $0x2800  }
0x2a: {  	_ =	swait.ge [sflag:s11], $0x2800  }
0x2b: {  	[sflag:s11] =	ssyncset.done $0x0  }
0x2c: {  	[sflag:s11] =	ssyncadd.s32 $0xFFFFD800  }
0x2d: {  	_ =	sfence.sel $0x180000  }
0x2e: {  	[bflag:$0x0] =	sbarrier.arrive $0xFFFF  }
0x2f: {  	p0 =	sne.s32 s0, $0x0;
	_ =	strace $0x90000047  }
0x30: {  	s0 =	sadd.s32 @!p0 $0x100000, s1;
	[bflag:$0x2] =	sbarrier.arrive $0xFFFF  }
0x31: {  	[sflag:s0] =	ssyncadd.tile.s32 @!p0 $0x1;
	_ =	shalt  }
.Lfunc_end2:
_tile_overlayer_lowered:
.L_overlay_start_2:
0x32: {  	(tag) =	ssettag $0x2  }
0x33: {  	s0 =	rddreg [dreg:$0x0];
	s2 =	stileid.u32  }
0x34: {  	s1 =	rddreg [dreg:$0x1];
	p0 =	sne.s32 s2, $0x0  }
0x35: {  	s3 =	rddreg [dreg:$0x2];
	[bflag:$0x3] =	sbarrier.arrive $0xFFFF;
	s2 =	simm.s32 @!p0 $0x1C01  }
0x36: {  	[timem:s3], [sflag:s2] =	dma.local @!p0 [hbm:s0], s1  }
0x37: {  	s0 =	simm.s32 @!p0 $0x1  }
0x38: {  	_ =	swait.ge @!p0 [sflag:s0], s1  }
0x39: {  	s1 =	ssub.s32 @!p0 $0x0, s1;
	[sflag:s0] =	ssyncset.done @!p0 $0x0  }
0x3a: {  	[sflag:s0] =	ssyncadd.s32 @!p0 s1  }
0x3b: {  	[bflag:$0x3] =	sbarrier.arrive $0xFFFF  }
0x3c: {  	_ =	shalt  }

// kernel: kernel.14.cloned.1.call-start
scs
__scs_entry_jumppad:
0x0: {  	(pc) =	sbr.rel $0x88, $3  }
0x1: {  	(tag) =	ssettag $0x0;
	lr =	simm.s32 $0x1  }
0x2: {  	[smem:$0x3F96] =	sst lr;
	_ =	strace $0xD0000000  }
0x3: {  	_ = 	snop  }
0x4: {  	_ = 	snop  }
0x5: {  	_ = 	snop  }
0x6: {  	_ = 	snop  }
0x7: {  	_ = 	snop  }
__scs_overlays_trampoline_lowered:
0x8: {  	[smem:$0x3FA5] =	sst s0  }
0x9: {  	[smem:$0x3FA6] =	sst s1  }
0xa: {  	[smem:$0x3FA7] =	sst s2  }
0xb: {  	[smem:$0x3FA8] =	sst s3  }
0xc: {  	[smem:$0x3FA9] =	sst s4  }
0xd: {  	[smem:$0x3FAA] =	sst s5  }
0xe: {  	[smem:$0x3FAB] =	sst s6  }
0xf: {  	[smem:$0x3FAC] =	sst s7  }
0x10: {  	[smem:$0x3FAD] =	sst s8  }
0x11: {  	[smem:$0x3FAE] =	sst s9;
	s0 =	simm.s32 @!p0 $0x0  }
0x12: {  	s1 =	sld [smem:$0x3F94];
	s0 =	simm.s32 @p0 $0x1  }
0x13: {  	[smem:$0x3FAF] =	sst s0;
	s0 =	simm.s32 @!p1 $0x0  }
0x14: {  	s2 =	sld [smem:$0x3F93];
	s0 =	simm.s32 @p1 $0x1  }
0x15: {  	[smem:$0x3FB0] =	sst s0;
	s0 =	simm.s32 @!p2 $0x0  }
0x16: {  	s3 =	sld [smem:$0x3FDB];
	s0 =	simm.s32 @p2 $0x1  }
0x17: {  	s4 =	simm.s32 $0x1BF5;
	[smem:$0x3FB2] =	sst s0  }
0x18: {  	s0 =	sld [smem:$0x3F95];
	_ =	swait.ge [sflag:s4], $0x0  }
0x19: {  	s7 =	sld [smem:$0x3F96]  }
0x1a: {  	s8 =	sadd.s32 $0xFFFFE003, lr  }
0x1b: {  	s9 =	sadd.s32 $0xFFFFFEF7, lr;
	s5 =	simm.s32 $0xFFFFFFFF;
	p2 =	slt.u32 s8, $0xFFFFF086  }
0x1c: {  	p1 =	slt.u32 s9, $0xF7A;
	s5 =	simm.s32 @!p2 $0x0  }
0x1d: {  	s5 =	simm.s32 @p1 $0x1;
	p0 =	seq.s32 s7, s2  }
0x1e: {  	s7 =	smul.u32 @!p0 $0xF7A, s2;
	p2 =	seq.s32 @!p0 s5, $0x0  }
0x1f: {  	s9 =	smul.u32 $0xF7A, s1;
	s8 =	simm.s32 @!p0 $0x1BF5;
	p2 =	por !p2, p0  }
0x20: {  	[sflag:s8] =	ssyncset.s32 @!p0 $0xFFFFF086;
	s6 =	sadd.s32 @!p0 s3, s7;
	s7 =	simm.s32 @!p0 $0x108  }
0x21: {  	s3 =	sadd.s32 s3, s9;
	s6 =	sadd.s32 @!p0 $0x88, s6;
	s7 =	simm.s32 @p2 $0x1082  }
0x22: {  	[simem:s7], [sflag:s8] =	dma.local @!p0 [hbm:s6], $0xF7A  }
0x23: {  	s9 =	sor.u32 $0xD0000000, s2;
	s6 =	simm.s32 $0x108;
	_ =	swait.ge @!p0 [sflag:s8], $0x0  }
0x24: {  	s3 =	sadd.s32 $0x88, s3;
	s6 =	simm.s32 @!p1 $0x1082;
	[sflag:s4] =	ssyncset.s32 $0xFFFFF086  }
0x25: {  	[simem:s6], [sflag:s4] =	dma.local [hbm:s3], $0xF7A  }
0x26: {  	[smem:$0x3F96] =	sst s1;
	(tag) =	ssettag s2;
	_ =	strace s9  }
0x27: {  	s1 =	sld [smem:$0x3FA6]  }
0x28: {  	s2 =	sld [smem:$0x3FA7]  }
0x29: {  	s4 =	sld [smem:$0x3FA9]  }
0x2a: {  	p0 =	seq.s32 s5, $0x0;
	s5 =	sld [smem:$0x3FAA]  }
0x2b: {  	s6 =	sld [smem:$0x3FAB]  }
0x2c: {  	s7 =	sld [smem:$0x3FAC]  }
0x2d: {  	s3 =	simm.s32 $0x108;
	s8 =	sld [smem:$0x3FAD]  }
0x2e: {  	s3 =	simm.s32 @!p0 $0x1082;
	s9 =	sld [smem:$0x3FAE]  }
0x2f: {  	lr =	sadd.s32 s0, s3;
	s0 =	sld [smem:$0x3FA5]  }
0x30: {  	s3 =	sld [smem:$0x3FA8]  }
0x31: {  	[smem:$0x3FB1] =	sst s10  }
0x32: {  	s10 =	sld [smem:$0x3FAF];
	_ =	sdelay $0x3  }
0x33: {  	p0 =	seq.s32 s10, $0x1;
	s10 =	sld [smem:$0x3FB1];
	_ =	sdelay $0x3  }
0x34: {  	[smem:$0x3FB1] =	sst s10  }
0x35: {  	s10 =	sld [smem:$0x3FB0];
	_ =	sdelay $0x3  }
0x36: {  	p1 =	seq.s32 s10, $0x1;
	s10 =	sld [smem:$0x3FB1];
	_ =	sdelay $0x3  }
0x37: {  	[smem:$0x3FB1] =	sst s10  }
0x38: {  	s10 =	sld [smem:$0x3FB2]  }
0x39: {  	_ = 	snop;
	(pc) =	sbr.ind lr, $3  }
0x3a: {  	_ = 	snop  }
0x3b: {  	_ = 	snop  }
0x3c: {  	p2 =	seq.s32 s10, $0x1;
	s10 =	sld [smem:$0x3FB1]  }
0x3d: {  	_ =	shalt  }
0x3e: {  	_ =	shalt  }
0x3f: {  	_ =	shalt  }
0x40: {  	_ =	shalt  }
0x41: {  	_ =	shalt  }
0x42: {  	_ =	shalt  }
0x43: {  	_ =	shalt  }
0x44: {  	_ =	shalt  }
0x45: {  	_ =	shalt  }
0x46: {  	_ =	shalt  }
0x47: {  	_ =	shalt  }
0x48: {  	_ =	shalt  }
0x49: {  	_ =	shalt  }
0x4a: {  	_ =	shalt  }
0x4b: {  	_ =	shalt  }
0x4c: {  	_ =	shalt  }
0x4d: {  	_ =	shalt  }
0x4e: {  	_ =	shalt  }
0x4f: {  	_ =	shalt  }
0x50: {  	_ =	shalt  }
0x51: {  	_ =	shalt  }
0x52: {  	_ =	shalt  }
0x53: {  	_ =	shalt  }
0x54: {  	_ =	shalt  }
0x55: {  	_ =	shalt  }
0x56: {  	_ =	shalt  }
0x57: {  	_ =	shalt  }
0x58: {  	_ =	shalt  }
0x59: {  	_ =	shalt  }
0x5a: {  	_ =	shalt  }
0x5b: {  	_ =	shalt  }
0x5c: {  	_ =	shalt  }
0x5d: {  	_ =	shalt  }
0x5e: {  	_ =	shalt  }
0x5f: {  	_ =	shalt  }
0x60: {  	_ =	shalt  }
0x61: {  	_ =	shalt  }
0x62: {  	_ =	shalt  }
0x63: {  	_ =	shalt  }
0x64: {  	_ =	shalt  }
0x65: {  	_ =	shalt  }
0x66: {  	_ =	shalt  }
0x67: {  	_ =	shalt  }
0x68: {  	_ =	shalt  }
0x69: {  	_ =	shalt  }
0x6a: {  	_ =	shalt  }
0x6b: {  	_ =	shalt  }
0x6c: {  	_ =	shalt  }
0x6d: {  	_ =	shalt  }
0x6e: {  	_ =	shalt  }
0x6f: {  	_ =	shalt  }
0x70: {  	_ =	shalt  }
0x71: {  	_ =	shalt  }
0x72: {  	_ =	shalt  }
0x73: {  	_ =	shalt  }
0x74: {  	_ =	shalt  }
0x75: {  	_ =	shalt  }
0x76: {  	_ =	shalt  }
0x77: {  	_ =	shalt  }
0x78: {  	_ =	shalt  }
0x79: {  	_ =	shalt  }
0x7a: {  	_ =	shalt  }
0x7b: {  	_ =	shalt  }
0x7c: {  	_ =	shalt  }
0x7d: {  	_ =	shalt  }
0x7e: {  	_ =	shalt  }
0x7f: {  	_ =	shalt  }
0x80: {  	_ =	shalt  }
0x81: {  	_ =	shalt  }
0x82: {  	_ =	shalt  }
0x83: {  	_ =	shalt  }
0x84: {  	_ =	shalt  }
0x85: {  	_ =	shalt  }
0x86: {  	_ =	shalt  }
0x87: {  	_ =	shalt  }
.Lfunc_end0:
.L_simem_size_0:
called_computation.1_lowered:
.L_overlay_start_0:
0x88: {  	s2 =	sld [smem:$0x3FD9]  }
0x89: {  	s3 =	sld [smem:$0x3FFE];
	_ =	sdelay $0x1  }
0x8a: {  	s1 =	srdreg.scid  }
0x8b: {  	s0 =	sand.u32 $0x1, s1  }
0x8c: {  	s16 =	sshll.u32 s0, $0xA;
	s2 =	sadd.s32 s3, s2  }
0x8d: {  	s2 =	sadd.s32 s2, s16  }
0x8e: {  	[smem:$0x3FBD] =	sst s2  }
0x8f: {  	_ = 	snop  }
0x90: {  	(tm) =	ssettm $0x1  }
0x91: {  	s17 =	sld [smem:$0x3FFB];
	_ =	sdelay $0x3  }
0x92: {  	_ =	strace s17  }
0x93: {  	s2 =	sld [smem:$0x3FFC];
	_ =	sdelay $0x3  }
0x94: {  	_ =	strace s2  }
0x95: {  	s2 =	sld [smem:$0x3FFD];
	_ =	sdelay $0x3  }
0x96: {  	_ =	strace s2  }
0x97: {  	_ =	strace $0x8FFFFFFF  }
0x98: {  	s18 =	sld [smem:$0x3FDB];
	_ =	sdelay $0x1  }
0x99: {  	s19 =	simm.s32 $_scs_section_size  }
0x9a: {  	s4 =	simm.s32 $_size__tile_overlayer_lowered;
	s5 =	simm.s32 $_tile_overlayer_lowered  }
0x9b: {  	s22 =	simm.s32 $0x1BFF;
	s21 =	sshll.u32 s5, $0x1;
	s2 =	sadd.s32 s19, s18  }
0x9c: {  	s6 =	simm.s32 $0x0;
	s20 =	sshll.u32 s4, $0x1;
	s4 =	sadd.s32 s21, s2  }
0x9d: {  	[timem:s6], [sflag:s22] =	dma.local [hbm:s4], s20  }
0x9e: {  	_ =	swait.ge [sflag:s22], s20  }
0x9f: {  	s3 =	ssub.s32 $0x0, s20;
	[sflag:s22] =	ssyncset.done $0x0  }
0xa0: {  	[sflag:s22] =	ssyncadd.s32 s3;
	_ =	sdelay $0x1  }
0xa1: {  	s23 =	simm.s32 $0x1B8B  }
0xa2: {  	_ =	swait.ge [sflag:s23], $0x1  }
0xa3: {  	[sflag:s23] =	ssyncset.done $0x0  }
0xa4: {  	s25 =	simm.s32 $0x1B8E;
	s24 =	sld [smem:$0x3FFE];
	[sflag:s23] =	ssyncadd.s32 $0xFFFFFFFF  }
0xa5: {  	s26 =	simm.s32 $execute0_lowered;
	[smem:$0x3FD2] =	sst s25  }
0xa6: {  	s4 =	sshll.u32 s26, $0x1;
	_ =	strace $0x80000049;
	[dreg:$0x1] =	wrdreg $0xFFFFFFFF  }
0xa7: {  	s28 =	simm.s32 $_size_execute0_lowered;
	s2 =	sadd.s32 s2, s4;
	[dreg:$0x0] =	wrdreg $0x0  }
0xa8: {  	s4 =	sshll.u32 s28, $0x1;
	[dreg:$0x2] =	wrdreg s2  }
0xa9: {  	[dreg:$0x3] =	wrdreg s4  }
0xaa: {  	[dreg:$0x4] =	wrdreg $0xC0  }
0xab: {  	_ =	task [dreg:s6], $0x5FFFF  }
0xac: {  	[dreg:$0x1] =	wrdreg $0xFFFFFFFF  }
0xad: {  	[dreg:$0x0] =	wrdreg $0x60  }
0xae: {  	[dreg:$0x2] =	wrdreg s24  }
0xaf: {  	[dreg:$0x3] =	wrdreg $0xC0000  }
0xb0: {  	[dreg:$0x4] =	wrdreg $0x9  }
0xb1: {  	_ =	task.clear_ibuf [dreg:s6], $0x5FFFF;
	_ =	strace $0x90000049  }
0xb2: {  	s29 =	simm.s32 $0x9;
	_ =	strace $0x8000004B  }
0xb3: {  	_ =	swait.ge [sflag:s29], $0x1  }
0xb4: {  	[sflag:s29] =	ssyncadd.s32 $0xFFFFFFFF  }
0xb5: {  	_ =	strace $0x9000004B  }
0xb6: {  	_ =	sfence  }
0xb7: {  	s30 =	sld [smem:$0x0];
	_ =	sdelay $0x2  }
0xb8: {  	s31 =	sshll.u32 s1, $0xD;
	s1 =	sshrl.u32 s1, $0x2  }
0xb9: {  	s3 =	sand.u32 $0x4000, s31;
	s1 =	sadd.s32 s1, s30  }
0xba: {  	s0 =	sor.u32 s3, s0;
	s1 =	sshll.u32 s1, $0x11  }
0xbb: {  	s0 =	sor.u32 s1, s0  }
0xbc: {  	s0 =	sadd.s32 $0x8F2B, s0  }
0xbd: {  	[sflag:s0] =	ssyncadd.remote.s32 $0x1  }
0xbe: {  	_ =	sfence.sel $0xFFFF  }
0xbf: {  	[dreg:$0x0] =	wrdreg $0xFFFFFFFF;
	(pc) =	sbr.abs _section_cstart, $3  }
0xc0: {  	[dreg:$0x1] =	wrdreg $0xFFFFFFFF  }
0xc1: {  	_ =	task.clear_ibuf [dreg:s6], $0x2FFFF;
	_ =	strace $0x9FFFFFFF  }
0xc2: {  	(tm) =	ssettm $0x7FFFFFFF  }
0xc3: {  	_ =	shalt  }
tec
execute0_lowered:
.L_overlay_start_1:
0x0: {  	(tag) =	ssettag $0x1  }
0x1: {  	s6 =	rddreg [dreg:$0x0]  }
0x2: {  	s0 =	srdreg.scid;
	s2 =	rddreg [dreg:$0x1];
	s3 =	simm.s32 $0x0  }
0x3: {  	s14 =	simm.s32 $0x40;
	s5 =	sand.u32 $0x1, s0;
	s0 =	stileid.u32  }
0x4: {  	s15 =	simm.s32 $0xA000;
	s16 =	simm.s32 $0x0;
	s8 =	smul.u32 $0x14000, s0  }
0x5: {  	[smem:$0x7FF] =	sst s3;
	s4 =	sadd.s32 $0x3FE00, s6;
	s9 =	smul.u32 $0x140000, s5  }
0x6: {  	s1 =	sshll.u32 s5, $0x4;
	s28 =	smul.u32 $0x50000, s0;
	s5 =	ssub.s32 $0x2, s5  }
0x7: {  	s31 =	sshll.u32 s0, $0x6;
	s1 =	sor.u32 s0, s1;
	s29 =	sshrl.u32 s5, $0x1  }
0x8: {  	s7 =	smul.u32 $0xA00, s1;
	s1 =	rddreg [dreg:$0x2];
	_ =	strace $0x8000004A  }
0x9: {  	s26 =	sshrl.u32 s8, $0x3;
	s8 =	sadd.s32 s8, s9;
	s30 =	sshrl.u32 s28, $0x2  }
0xa: {  	s12 =	ssub.s32 s5, s29;
	s8 =	sshrl.u32 s8, $0x3;
	s13 =	sadd.s32 s30, s2  }
0xb: {  	s10 =	sadd.s32 s7, s6;
	s7 =	sadd.s32 s26, s6;
	s11 =	sadd.s32 s8, s6  }
0xc: {  	s6 =	sor.u32 $0x1C01, s31;
	s5 =	sadd.s32 $0x17E00, s7;
	s7 =	sadd.s32 $0x8FE00, s10  }
0xd: {  	s8 =	sadd.s32 $0x3E00, s10;
	s9 =	sadd.s32 $0xA3E00, s11;
	s10 =	smax.u32 s12, $0x1  }
0xe: {  	s11 =	sshrl.u32 s13, $0x3;
	s12 =	simm.s32 $0x1;
	s13 =	simm.s32 $0x5000  }
.LBB2_1:
0xf: {  	[spmem:s11], [sflag:s6] =	dma.local [hbm:s5], $0x2800  }
0x10: {  	_ =	swait.ge [sflag:s12], $0x2800  }
0x11: {  	[sflag:s12] =	ssyncset.done $0x0  }
0x12: {  	[sflag:s12] =	ssyncadd.s32 $0xFFFFD800  }
0x13: {  	[tilespmem:s3], [sflag:$0x1] =	stream.linear.gather [hbm4b:s7+s3], $0x4E80, $0x38;
	v63 =	vld [tilespmem:$0x0]  }
0x14: {  	_ =	swait.ge [sflag:s12], $0x4E80  }
0x15: {  	[sflag:s12] =	ssyncset.done $0x0  }
0x16: {  	[sflag:s12] =	ssyncadd.s32 $0xFFFFB180  }
0x17: {  	[tilespmem:s13], [sflag:$0x1] =	stream.linear.gather [hbm4b:s8+s3], $0x4E80, $0x38;
	v63 =	vld [tilespmem:$0x0]  }
0x18: {  	_ =	swait.ge [sflag:s12], $0x4E80  }
0x19: {  	[sflag:s12] =	ssyncset.done $0x0  }
0x1a: {  	[sflag:s12] =	ssyncadd.s32 $0xFFFFB180  }
0x1b: {  	s17 =	simm.s32 $0x0;
	[bflag:$0x0] =	sbarrier.arrive $0xFFFF  }
0x1c: {  	[tilespmem:s15], [sflag:$0x1] =	stream.indirect.gather [hbm4b:s4+s14], $0x80, s17, s14, $0xb8;
	v63 =	vld [tilespmem:$0x0]  }
0x1d: {  	_ =	swait.ge [sflag:s12], $0x2000  }
0x1e: {  	[sflag:s12] =	ssyncset.done $0x0  }
0x1f: {  	s31 =	simm.s32 $0x5000;
	[sflag:s12] =	ssyncadd.s32 $0xFFFFE000  }
0x20: {  	[spmem:s2] =	stream.indirect.scatter.add.f32 [tilespmem:s15], [sflag:$0x1], $0x80, s31, s14, $0xb8;
	v63 =	vld [tilespmem:$0x0]  }
0x21: {  	_ =	swait.ge [sflag:s12], $0x2000  }
0x22: {  	s18 =	simm.s32 $0x400;
	s17 =	simm.s32 $0x200;
	[sflag:s12] =	ssyncset.done $0x0  }
.LBB2_2:
0x23: {  	s19 =	sshra.s32 s17, $0x2  }
0x24: {  	[sflag:s12] =	ssyncadd.s32 $0xFFFFE000;
	s17 =	smov.u32 s18;
	s20 =	sadd.s32 $0x200, s18  }
0x25: {  	[tilespmem:s15], [sflag:$0x1] =	stream.indirect.gather [hbm4b:s4+s14], $0x80, s19, s14, $0xb8;
	v63 =	vld [tilespmem:$0x0]  }
0x26: {  	p0 =	sne.s32 s18, $0x13800;
	_ =	swait.ge [sflag:s12], $0x2000  }
.Ltmp0:
0x27: {  	[sflag:s12] =	ssyncset.done $0x0;
	(pc) =	sbr.rel @p0 .LBB2_2-.Ltmp0, $4  }
0x28: {  	s18 =	sadd.s32 $0x5000, s19;
	[sflag:s12] =	ssyncadd.s32 $0xFFFFE000  }
0x29: {  	[spmem:s2] =	stream.indirect.scatter.add.f32 [tilespmem:s15], [sflag:$0x1], $0x80, s18, s14, $0xb8;
	v63 =	vld [tilespmem:$0x0]  }
0x2a: {  	_ =	swait.ge [sflag:s12], $0x2000  }
0x2b: {  	s18 =	smov.u32 s20;
	[sflag:s12] =	ssyncset.done $0x0  }
0x2c: {  	s17 =	sshra.s32 s17, $0x2;
	[sflag:s12] =	ssyncadd.s32 $0xFFFFE000  }
0x2d: {  	[tilespmem:s15], [sflag:$0x1] =	stream.indirect.gather [hbm4b:s4+s14], $0x80, s17, s14, $0xb8;
	v63 =	vld [tilespmem:$0x0]  }
0x2e: {  	_ =	swait.ge [sflag:s12], $0x2000  }
0x2f: {  	[sflag:s12] =	ssyncset.done $0x0  }
0x30: {  	s17 =	sadd.s32 $0x5000, s17;
	[sflag:s12] =	ssyncadd.s32 $0xFFFFE000  }
0x31: {  	[spmem:s2] =	stream.indirect.scatter.add.f32 [tilespmem:s15], [sflag:$0x1], $0x80, s17, s14, $0xb8;
	v63 =	vld [tilespmem:$0x0]  }
0x32: {  	_ =	swait.ge [sflag:s12], $0x2000  }
0x33: {  	s16 =	sadd.s32 $0x1, s16;
	[sflag:s12] =	ssyncset.done $0x0  }
0x34: {  	p0 =	sne.s32 s16, s10;
	[sflag:s12] =	ssyncadd.s32 $0xFFFFE000  }
.Ltmp1:
0x35: {  	[bflag:$0x0] =	sbarrier.arrive $0xFFFF;
	(pc) =	sbr.rel @p0 .LBB2_1-.Ltmp1, $4  }
0x36: {  	[hbm:s9], [sflag:s6] =	dma.local [spmem:s11], $0x2800  }
0x37: {  	_ =	swait.ge [sflag:s12], $0x2800  }
0x38: {  	[sflag:s12] =	ssyncset.done $0x0  }
0x39: {  	[sflag:s12] =	ssyncadd.s32 $0xFFFFD800  }
0x3a: {  	_ =	sfence.sel $0x180000  }
0x3b: {  	[bflag:$0x0] =	sbarrier.arrive $0xFFFF  }
0x3c: {  	p0 =	sne.s32 s0, $0x0;
	_ =	strace $0x9000004A  }
0x3d: {  	s0 =	sadd.s32 @!p0 $0x100000, s1;
	[bflag:$0x2] =	sbarrier.arrive $0xFFFF  }
0x3e: {  	[sflag:s0] =	ssyncadd.tile.s32 @!p0 $0x1;
	_ =	shalt  }
.Lfunc_end2:
_tile_overlayer_lowered:
.L_overlay_start_2:
0x3f: {  	(tag) =	ssettag $0x2  }
0x40: {  	s0 =	rddreg [dreg:$0x0];
	s2 =	stileid.u32  }
0x41: {  	s1 =	rddreg [dreg:$0x1];
	p0 =	sne.s32 s2, $0x0  }
0x42: {  	s3 =	rddreg [dreg:$0x2];
	[bflag:$0x3] =	sbarrier.arrive $0xFFFF;
	s2 =	simm.s32 @!p0 $0x1C01  }
0x43: {  	[timem:s3], [sflag:s2] =	dma.local @!p0 [hbm:s0], s1  }
0x44: {  	s0 =	simm.s32 @!p0 $0x1  }
0x45: {  	_ =	swait.ge @!p0 [sflag:s0], s1  }
0x46: {  	s1 =	ssub.s32 @!p0 $0x0, s1;
	[sflag:s0] =	ssyncset.done @!p0 $0x0  }
0x47: {  	[sflag:s0] =	ssyncadd.s32 @!p0 s1  }
0x48: {  	[bflag:$0x3] =	sbarrier.arrive $0xFFFF  }
0x49: {  	_ =	shalt  }

// kernel: kernel.17.cloned.1.call-start
scs
__scs_entry_jumppad:
0x0: {  	(pc) =	sbr.rel $0x88, $3  }
0x1: {  	(tag) =	ssettag $0x0;
	lr =	simm.s32 $0x1  }
0x2: {  	[smem:$0x3F96] =	sst lr;
	_ =	strace $0xD0000000  }
0x3: {  	_ = 	snop  }
0x4: {  	_ = 	snop  }
0x5: {  	_ = 	snop  }
0x6: {  	_ = 	snop  }
0x7: {  	_ = 	snop  }
__scs_overlays_trampoline_lowered:
0x8: {  	[smem:$0x3FA5] =	sst s0  }
0x9: {  	[smem:$0x3FA6] =	sst s1  }
0xa: {  	[smem:$0x3FA7] =	sst s2  }
0xb: {  	[smem:$0x3FA8] =	sst s3  }
0xc: {  	[smem:$0x3FA9] =	sst s4  }
0xd: {  	[smem:$0x3FAA] =	sst s5  }
0xe: {  	[smem:$0x3FAB] =	sst s6  }
0xf: {  	[smem:$0x3FAC] =	sst s7  }
0x10: {  	[smem:$0x3FAD] =	sst s8  }
0x11: {  	[smem:$0x3FAE] =	sst s9;
	s0 =	simm.s32 @!p0 $0x0  }
0x12: {  	s1 =	sld [smem:$0x3F94];
	s0 =	simm.s32 @p0 $0x1  }
0x13: {  	[smem:$0x3FAF] =	sst s0;
	s0 =	simm.s32 @!p1 $0x0  }
0x14: {  	s2 =	sld [smem:$0x3F93];
	s0 =	simm.s32 @p1 $0x1  }
0x15: {  	[smem:$0x3FB0] =	sst s0;
	s0 =	simm.s32 @!p2 $0x0  }
0x16: {  	s3 =	sld [smem:$0x3FDB];
	s0 =	simm.s32 @p2 $0x1  }
0x17: {  	s4 =	simm.s32 $0x1BF5;
	[smem:$0x3FB2] =	sst s0  }
0x18: {  	s0 =	sld [smem:$0x3F95];
	_ =	swait.ge [sflag:s4], $0x0  }
0x19: {  	s7 =	sld [smem:$0x3F96]  }
0x1a: {  	s8 =	sadd.s32 $0xFFFFE003, lr  }
0x1b: {  	s9 =	sadd.s32 $0xFFFFFEF7, lr;
	s5 =	simm.s32 $0xFFFFFFFF;
	p2 =	slt.u32 s8, $0xFFFFF086  }
0x1c: {  	p1 =	slt.u32 s9, $0xF7A;
	s5 =	simm.s32 @!p2 $0x0  }
0x1d: {  	s5 =	simm.s32 @p1 $0x1;
	p0 =	seq.s32 s7, s2  }
0x1e: {  	s7 =	smul.u32 @!p0 $0xF7A, s2;
	p2 =	seq.s32 @!p0 s5, $0x0  }
0x1f: {  	s9 =	smul.u32 $0xF7A, s1;
	s8 =	simm.s32 @!p0 $0x1BF5;
	p2 =	por !p2, p0  }
0x20: {  	[sflag:s8] =	ssyncset.s32 @!p0 $0xFFFFF086;
	s6 =	sadd.s32 @!p0 s3, s7;
	s7 =	simm.s32 @!p0 $0x108  }
0x21: {  	s3 =	sadd.s32 s3, s9;
	s6 =	sadd.s32 @!p0 $0x88, s6;
	s7 =	simm.s32 @p2 $0x1082  }
0x22: {  	[simem:s7], [sflag:s8] =	dma.local @!p0 [hbm:s6], $0xF7A  }
0x23: {  	s9 =	sor.u32 $0xD0000000, s2;
	s6 =	simm.s32 $0x108;
	_ =	swait.ge @!p0 [sflag:s8], $0x0  }
0x24: {  	s3 =	sadd.s32 $0x88, s3;
	s6 =	simm.s32 @!p1 $0x1082;
	[sflag:s4] =	ssyncset.s32 $0xFFFFF086  }
0x25: {  	[simem:s6], [sflag:s4] =	dma.local [hbm:s3], $0xF7A  }
0x26: {  	[smem:$0x3F96] =	sst s1;
	(tag) =	ssettag s2;
	_ =	strace s9  }
0x27: {  	s1 =	sld [smem:$0x3FA6]  }
0x28: {  	s2 =	sld [smem:$0x3FA7]  }
0x29: {  	s4 =	sld [smem:$0x3FA9]  }
0x2a: {  	p0 =	seq.s32 s5, $0x0;
	s5 =	sld [smem:$0x3FAA]  }
0x2b: {  	s6 =	sld [smem:$0x3FAB]  }
0x2c: {  	s7 =	sld [smem:$0x3FAC]  }
0x2d: {  	s3 =	simm.s32 $0x108;
	s8 =	sld [smem:$0x3FAD]  }
0x2e: {  	s3 =	simm.s32 @!p0 $0x1082;
	s9 =	sld [smem:$0x3FAE]  }
0x2f: {  	lr =	sadd.s32 s0, s3;
	s0 =	sld [smem:$0x3FA5]  }
0x30: {  	s3 =	sld [smem:$0x3FA8]  }
0x31: {  	[smem:$0x3FB1] =	sst s10  }
0x32: {  	s10 =	sld [smem:$0x3FAF];
	_ =	sdelay $0x3  }
0x33: {  	p0 =	seq.s32 s10, $0x1;
	s10 =	sld [smem:$0x3FB1];
	_ =	sdelay $0x3  }
0x34: {  	[smem:$0x3FB1] =	sst s10  }
0x35: {  	s10 =	sld [smem:$0x3FB0];
	_ =	sdelay $0x3  }
0x36: {  	p1 =	seq.s32 s10, $0x1;
	s10 =	sld [smem:$0x3FB1];
	_ =	sdelay $0x3  }
0x37: {  	[smem:$0x3FB1] =	sst s10  }
0x38: {  	s10 =	sld [smem:$0x3FB2]  }
0x39: {  	_ = 	snop;
	(pc) =	sbr.ind lr, $3  }
0x3a: {  	_ = 	snop  }
0x3b: {  	_ = 	snop  }
0x3c: {  	p2 =	seq.s32 s10, $0x1;
	s10 =	sld [smem:$0x3FB1]  }
0x3d: {  	_ =	shalt  }
0x3e: {  	_ =	shalt  }
0x3f: {  	_ =	shalt  }
0x40: {  	_ =	shalt  }
0x41: {  	_ =	shalt  }
0x42: {  	_ =	shalt  }
0x43: {  	_ =	shalt  }
0x44: {  	_ =	shalt  }
0x45: {  	_ =	shalt  }
0x46: {  	_ =	shalt  }
0x47: {  	_ =	shalt  }
0x48: {  	_ =	shalt  }
0x49: {  	_ =	shalt  }
0x4a: {  	_ =	shalt  }
0x4b: {  	_ =	shalt  }
0x4c: {  	_ =	shalt  }
0x4d: {  	_ =	shalt  }
0x4e: {  	_ =	shalt  }
0x4f: {  	_ =	shalt  }
0x50: {  	_ =	shalt  }
0x51: {  	_ =	shalt  }
0x52: {  	_ =	shalt  }
0x53: {  	_ =	shalt  }
0x54: {  	_ =	shalt  }
0x55: {  	_ =	shalt  }
0x56: {  	_ =	shalt  }
0x57: {  	_ =	shalt  }
0x58: {  	_ =	shalt  }
0x59: {  	_ =	shalt  }
0x5a: {  	_ =	shalt  }
0x5b: {  	_ =	shalt  }
0x5c: {  	_ =	shalt  }
0x5d: {  	_ =	shalt  }
0x5e: {  	_ =	shalt  }
0x5f: {  	_ =	shalt  }
0x60: {  	_ =	shalt  }
0x61: {  	_ =	shalt  }
0x62: {  	_ =	shalt  }
0x63: {  	_ =	shalt  }
0x64: {  	_ =	shalt  }
0x65: {  	_ =	shalt  }
0x66: {  	_ =	shalt  }
0x67: {  	_ =	shalt  }
0x68: {  	_ =	shalt  }
0x69: {  	_ =	shalt  }
0x6a: {  	_ =	shalt  }
0x6b: {  	_ =	shalt  }
0x6c: {  	_ =	shalt  }
0x6d: {  	_ =	shalt  }
0x6e: {  	_ =	shalt  }
0x6f: {  	_ =	shalt  }
0x70: {  	_ =	shalt  }
0x71: {  	_ =	shalt  }
0x72: {  	_ =	shalt  }
0x73: {  	_ =	shalt  }
0x74: {  	_ =	shalt  }
0x75: {  	_ =	shalt  }
0x76: {  	_ =	shalt  }
0x77: {  	_ =	shalt  }
0x78: {  	_ =	shalt  }
0x79: {  	_ =	shalt  }
0x7a: {  	_ =	shalt  }
0x7b: {  	_ =	shalt  }
0x7c: {  	_ =	shalt  }
0x7d: {  	_ =	shalt  }
0x7e: {  	_ =	shalt  }
0x7f: {  	_ =	shalt  }
0x80: {  	_ =	shalt  }
0x81: {  	_ =	shalt  }
0x82: {  	_ =	shalt  }
0x83: {  	_ =	shalt  }
0x84: {  	_ =	shalt  }
0x85: {  	_ =	shalt  }
0x86: {  	_ =	shalt  }
0x87: {  	_ =	shalt  }
.Lfunc_end0:
.L_simem_size_0:
called_computation.2_lowered:
.L_overlay_start_0:
0x88: {  	s2 =	sld [smem:$0x3FD9]  }
0x89: {  	s3 =	sld [smem:$0x3FFE];
	_ =	sdelay $0x1  }
0x8a: {  	s1 =	srdreg.scid  }
0x8b: {  	s0 =	sand.u32 $0x1, s1  }
0x8c: {  	s16 =	sshll.u32 s0, $0xA;
	s2 =	sadd.s32 s3, s2  }
0x8d: {  	s2 =	sadd.s32 s2, s16  }
0x8e: {  	[smem:$0x3FBD] =	sst s2  }
0x8f: {  	_ = 	snop  }
0x90: {  	(tm) =	ssettm $0x1  }
0x91: {  	s17 =	sld [smem:$0x3FFB];
	_ =	sdelay $0x3  }
0x92: {  	_ =	strace s17  }
0x93: {  	s2 =	sld [smem:$0x3FFC];
	_ =	sdelay $0x3  }
0x94: {  	_ =	strace s2  }
0x95: {  	s2 =	sld [smem:$0x3FFD];
	_ =	sdelay $0x3  }
0x96: {  	_ =	strace s2  }
0x97: {  	_ =	strace $0x8FFFFFFF  }
0x98: {  	s18 =	sld [smem:$0x3FDB];
	_ =	sdelay $0x1  }
0x99: {  	s19 =	simm.s32 $_scs_section_size  }
0x9a: {  	s4 =	simm.s32 $_size__tile_overlayer_lowered;
	s5 =	simm.s32 $_tile_overlayer_lowered  }
0x9b: {  	s22 =	simm.s32 $0x1BFF;
	s21 =	sshll.u32 s5, $0x1;
	s2 =	sadd.s32 s19, s18  }
0x9c: {  	s6 =	simm.s32 $0x0;
	s20 =	sshll.u32 s4, $0x1;
	s4 =	sadd.s32 s21, s2  }
0x9d: {  	[timem:s6], [sflag:s22] =	dma.local [hbm:s4], s20  }
0x9e: {  	_ =	swait.ge [sflag:s22], s20  }
0x9f: {  	s3 =	ssub.s32 $0x0, s20;
	[sflag:s22] =	ssyncset.done $0x0  }
0xa0: {  	[sflag:s22] =	ssyncadd.s32 s3;
	_ =	sdelay $0x1  }
0xa1: {  	s23 =	simm.s32 $0x1B8B  }
0xa2: {  	_ =	swait.ge [sflag:s23], $0x1  }
0xa3: {  	[sflag:s23] =	ssyncset.done $0x0  }
0xa4: {  	s25 =	simm.s32 $0x1B8E;
	s24 =	sld [smem:$0x3FFE];
	[sflag:s23] =	ssyncadd.s32 $0xFFFFFFFF  }
0xa5: {  	s26 =	simm.s32 $execute0_lowered;
	[smem:$0x3FD2] =	sst s25  }
0xa6: {  	s4 =	sshll.u32 s26, $0x1;
	_ =	strace $0x8000004C;
	[dreg:$0x1] =	wrdreg $0xFFFFFFFF  }
0xa7: {  	s28 =	simm.s32 $_size_execute0_lowered;
	s2 =	sadd.s32 s2, s4;
	[dreg:$0x0] =	wrdreg $0x0  }
0xa8: {  	s4 =	sshll.u32 s28, $0x1;
	[dreg:$0x2] =	wrdreg s2  }
0xa9: {  	[dreg:$0x3] =	wrdreg s4  }
0xaa: {  	[dreg:$0x4] =	wrdreg $0xC0  }
0xab: {  	_ =	task [dreg:s6], $0x5FFFF  }
0xac: {  	[dreg:$0x1] =	wrdreg $0xFFFFFFFF  }
0xad: {  	[dreg:$0x0] =	wrdreg $0x60  }
0xae: {  	[dreg:$0x2] =	wrdreg s24  }
0xaf: {  	[dreg:$0x3] =	wrdreg $0xC0000  }
0xb0: {  	[dreg:$0x4] =	wrdreg $0x9  }
0xb1: {  	_ =	task.clear_ibuf [dreg:s6], $0x5FFFF;
	_ =	strace $0x9000004C  }
0xb2: {  	s29 =	simm.s32 $0x9;
	_ =	strace $0x8000004E  }
0xb3: {  	_ =	swait.ge [sflag:s29], $0x1  }
0xb4: {  	[sflag:s29] =	ssyncadd.s32 $0xFFFFFFFF  }
0xb5: {  	_ =	strace $0x9000004E  }
0xb6: {  	_ =	sfence  }
0xb7: {  	s30 =	sld [smem:$0x0];
	_ =	sdelay $0x2  }
0xb8: {  	s31 =	sshll.u32 s1, $0xD;
	s1 =	sshrl.u32 s1, $0x2  }
0xb9: {  	s3 =	sand.u32 $0x4000, s31;
	s1 =	sadd.s32 s1, s30  }
0xba: {  	s0 =	sor.u32 s3, s0;
	s1 =	sshll.u32 s1, $0x11  }
0xbb: {  	s0 =	sor.u32 s1, s0  }
0xbc: {  	s0 =	sadd.s32 $0x8F2B, s0  }
0xbd: {  	[sflag:s0] =	ssyncadd.remote.s32 $0x1  }
0xbe: {  	_ =	sfence.sel $0xFFFF  }
0xbf: {  	[dreg:$0x0] =	wrdreg $0xFFFFFFFF;
	(pc) =	sbr.abs _section_cstart, $3  }
0xc0: {  	[dreg:$0x1] =	wrdreg $0xFFFFFFFF  }
0xc1: {  	_ =	task.clear_ibuf [dreg:s6], $0x2FFFF;
	_ =	strace $0x9FFFFFFF  }
0xc2: {  	(tm) =	ssettm $0x7FFFFFFF  }
0xc3: {  	_ =	shalt  }
tec
execute0_lowered:
.L_overlay_start_1:
0x0: {  	(tag) =	ssettag $0x1  }
0x1: {  	s6 =	rddreg [dreg:$0x0]  }
0x2: {  	s0 =	srdreg.scid;
	s2 =	rddreg [dreg:$0x1];
	s3 =	simm.s32 $0x0  }
0x3: {  	s14 =	simm.s32 $0x40;
	s5 =	sand.u32 $0x1, s0;
	s0 =	stileid.u32  }
0x4: {  	s15 =	simm.s32 $0xA000;
	s16 =	simm.s32 $0x0;
	s8 =	smul.u32 $0x14000, s0  }
0x5: {  	[smem:$0x7FF] =	sst s3;
	s4 =	sadd.s32 $0x3FE00, s6;
	s9 =	smul.u32 $0x140000, s5  }
0x6: {  	s1 =	sshll.u32 s5, $0x4;
	s28 =	smul.u32 $0x50000, s0;
	s5 =	ssub.s32 $0x2, s5  }
0x7: {  	s31 =	sshll.u32 s0, $0x6;
	s1 =	sor.u32 s0, s1;
	s29 =	sshrl.u32 s5, $0x1  }
0x8: {  	s7 =	smul.u32 $0xA00, s1;
	s1 =	rddreg [dreg:$0x2];
	_ =	strace $0x8000004D  }
0x9: {  	s26 =	sshrl.u32 s8, $0x3;
	s8 =	sadd.s32 s8, s9;
	s30 =	sshrl.u32 s28, $0x2  }
0xa: {  	s12 =	ssub.s32 s5, s29;
	s8 =	sshrl.u32 s8, $0x3;
	s13 =	sadd.s32 s30, s2  }
0xb: {  	s10 =	sadd.s32 s7, s6;
	s7 =	sadd.s32 s26, s6;
	s11 =	sadd.s32 s8, s6  }
0xc: {  	s6 =	sor.u32 $0x1C01, s31;
	s5 =	sadd.s32 $0x17E00, s7;
	s7 =	sadd.s32 $0x8FE00, s10  }
0xd: {  	s8 =	sadd.s32 $0x3E00, s10;
	s9 =	sadd.s32 $0xA3E00, s11;
	s10 =	smax.u32 s12, $0x1  }
0xe: {  	s11 =	sshrl.u32 s13, $0x3;
	s12 =	simm.s32 $0x1;
	s13 =	simm.s32 $0x5000  }
.LBB2_1:
0xf: {  	[spmem:s11], [sflag:s6] =	dma.local [hbm:s5], $0x2800  }
0x10: {  	_ =	swait.ge [sflag:s12], $0x2800  }
0x11: {  	[sflag:s12] =	ssyncset.done $0x0  }
0x12: {  	[sflag:s12] =	ssyncadd.s32 $0xFFFFD800  }
0x13: {  	[tilespmem:s3], [sflag:$0x1] =	stream.linear.gather [hbm4b:s7+s3], $0x4E80, $0x38;
	v63 =	vld [tilespmem:$0x0]  }
0x14: {  	_ =	swait.ge [sflag:s12], $0x4E80  }
0x15: {  	[sflag:s12] =	ssyncset.done $0x0  }
0x16: {  	[sflag:s12] =	ssyncadd.s32 $0xFFFFB180  }
0x17: {  	[tilespmem:s13], [sflag:$0x1] =	stream.linear.gather [hbm4b:s8+s3], $0x4E80, $0x38;
	v63 =	vld [tilespmem:$0x0]  }
0x18: {  	_ =	swait.ge [sflag:s12], $0x4E80  }
0x19: {  	[sflag:s12] =	ssyncset.done $0x0  }
0x1a: {  	[sflag:s12] =	ssyncadd.s32 $0xFFFFB180  }
0x1b: {  	s17 =	simm.s32 $0x0;
	[bflag:$0x0] =	sbarrier.arrive $0xFFFF  }
0x1c: {  	[tilespmem:s15], [sflag:$0x1] =	stream.indirect.gather [hbm4b:s4+s14], $0x80, s17, s14, $0xb8;
	v63 =	vld [tilespmem:$0x0]  }
0x1d: {  	_ =	swait.ge [sflag:s12], $0x2000  }
0x1e: {  	[sflag:s12] =	ssyncset.done $0x0  }
0x1f: {  	s31 =	simm.s32 $0x5000;
	[sflag:s12] =	ssyncadd.s32 $0xFFFFE000  }
0x20: {  	[spmem:s2] =	stream.indirect.scatter.add.f32 [tilespmem:s15], [sflag:$0x1], $0x80, s31, s14, $0xb8;
	v63 =	vld [tilespmem:$0x0]  }
0x21: {  	_ =	swait.ge [sflag:s12], $0x2000  }
0x22: {  	s18 =	simm.s32 $0x400;
	s17 =	simm.s32 $0x200;
	[sflag:s12] =	ssyncset.done $0x0  }
.LBB2_2:
0x23: {  	s19 =	sshra.s32 s17, $0x2  }
0x24: {  	[sflag:s12] =	ssyncadd.s32 $0xFFFFE000;
	s17 =	smov.u32 s18;
	s20 =	sadd.s32 $0x200, s18  }
0x25: {  	[tilespmem:s15], [sflag:$0x1] =	stream.indirect.gather [hbm4b:s4+s14], $0x80, s19, s14, $0xb8;
	v63 =	vld [tilespmem:$0x0]  }
0x26: {  	p0 =	sne.s32 s18, $0x13800;
	_ =	swait.ge [sflag:s12], $0x2000  }
.Ltmp0:
0x27: {  	[sflag:s12] =	ssyncset.done $0x0;
	(pc) =	sbr.rel @p0 .LBB2_2-.Ltmp0, $4  }
0x28: {  	s18 =	sadd.s32 $0x5000, s19;
	[sflag:s12] =	ssyncadd.s32 $0xFFFFE000  }
0x29: {  	[spmem:s2] =	stream.indirect.scatter.add.f32 [tilespmem:s15], [sflag:$0x1], $0x80, s18, s14, $0xb8;
	v63 =	vld [tilespmem:$0x0]  }
0x2a: {  	_ =	swait.ge [sflag:s12], $0x2000  }
0x2b: {  	s18 =	smov.u32 s20;
	[sflag:s12] =	ssyncset.done $0x0  }
0x2c: {  	s17 =	sshra.s32 s17, $0x2;
	[sflag:s12] =	ssyncadd.s32 $0xFFFFE000  }
0x2d: {  	[tilespmem:s15], [sflag:$0x1] =	stream.indirect.gather [hbm4b:s4+s14], $0x80, s17, s14, $0xb8;
	v63 =	vld [tilespmem:$0x0]  }
0x2e: {  	_ =	swait.ge [sflag:s12], $0x2000  }
0x2f: {  	[sflag:s12] =	ssyncset.done $0x0  }
0x30: {  	s17 =	sadd.s32 $0x5000, s17;
	[sflag:s12] =	ssyncadd.s32 $0xFFFFE000  }
0x31: {  	[spmem:s2] =	stream.indirect.scatter.add.f32 [tilespmem:s15], [sflag:$0x1], $0x80, s17, s14, $0xb8;
	v63 =	vld [tilespmem:$0x0]  }
0x32: {  	_ =	swait.ge [sflag:s12], $0x2000  }
0x33: {  	s16 =	sadd.s32 $0x1, s16;
	[sflag:s12] =	ssyncset.done $0x0  }
0x34: {  	p0 =	sne.s32 s16, s10;
	[sflag:s12] =	ssyncadd.s32 $0xFFFFE000  }
.Ltmp1:
0x35: {  	[bflag:$0x0] =	sbarrier.arrive $0xFFFF;
	(pc) =	sbr.rel @p0 .LBB2_1-.Ltmp1, $4  }
0x36: {  	[hbm:s9], [sflag:s6] =	dma.local [spmem:s11], $0x2800  }
0x37: {  	_ =	swait.ge [sflag:s12], $0x2800  }
0x38: {  	[sflag:s12] =	ssyncset.done $0x0  }
0x39: {  	[sflag:s12] =	ssyncadd.s32 $0xFFFFD800  }
0x3a: {  	_ =	sfence.sel $0x180000  }
0x3b: {  	[bflag:$0x0] =	sbarrier.arrive $0xFFFF  }
0x3c: {  	p0 =	sne.s32 s0, $0x0;
	_ =	strace $0x9000004D  }
0x3d: {  	s0 =	sadd.s32 @!p0 $0x100000, s1;
	[bflag:$0x2] =	sbarrier.arrive $0xFFFF  }
0x3e: {  	[sflag:s0] =	ssyncadd.tile.s32 @!p0 $0x1;
	_ =	shalt  }
.Lfunc_end2:
_tile_overlayer_lowered:
.L_overlay_start_2:
0x3f: {  	(tag) =	ssettag $0x2  }
0x40: {  	s0 =	rddreg [dreg:$0x0];
	s2 =	stileid.u32  }
0x41: {  	s1 =	rddreg [dreg:$0x1];
	p0 =	sne.s32 s2, $0x0  }
0x42: {  	s3 =	rddreg [dreg:$0x2];
	[bflag:$0x3] =	sbarrier.arrive $0xFFFF;
	s2 =	simm.s32 @!p0 $0x1C01  }
0x43: {  	[timem:s3], [sflag:s2] =	dma.local @!p0 [hbm:s0], s1  }
0x44: {  	s0 =	simm.s32 @!p0 $0x1  }
0x45: {  	_ =	swait.ge @!p0 [sflag:s0], s1  }
0x46: {  	s1 =	ssub.s32 @!p0 $0x0, s1;
	[sflag:s0] =	ssyncset.done @!p0 $0x0  }
0x47: {  	[sflag:s0] =	ssyncadd.s32 @!p0 s1  }
0x48: {  	[bflag:$0x3] =	sbarrier.arrive $0xFFFF  }
0x49: {  	_ =	shalt  }

// kernel: kernel.20.cloned.1.call-start
scs
__scs_entry_jumppad:
0x0: {  	(pc) =	sbr.rel $0x88, $3  }
0x1: {  	(tag) =	ssettag $0x0;
	lr =	simm.s32 $0x1  }
0x2: {  	[smem:$0x3F96] =	sst lr;
	_ =	strace $0xD0000000  }
0x3: {  	_ = 	snop  }
0x4: {  	_ = 	snop  }
0x5: {  	_ = 	snop  }
0x6: {  	_ = 	snop  }
0x7: {  	_ = 	snop  }
__scs_overlays_trampoline_lowered:
0x8: {  	[smem:$0x3FA5] =	sst s0  }
0x9: {  	[smem:$0x3FA6] =	sst s1  }
0xa: {  	[smem:$0x3FA7] =	sst s2  }
0xb: {  	[smem:$0x3FA8] =	sst s3  }
0xc: {  	[smem:$0x3FA9] =	sst s4  }
0xd: {  	[smem:$0x3FAA] =	sst s5  }
0xe: {  	[smem:$0x3FAB] =	sst s6  }
0xf: {  	[smem:$0x3FAC] =	sst s7  }
0x10: {  	[smem:$0x3FAD] =	sst s8  }
0x11: {  	[smem:$0x3FAE] =	sst s9;
	s0 =	simm.s32 @!p0 $0x0  }
0x12: {  	s1 =	sld [smem:$0x3F94];
	s0 =	simm.s32 @p0 $0x1  }
0x13: {  	[smem:$0x3FAF] =	sst s0;
	s0 =	simm.s32 @!p1 $0x0  }
0x14: {  	s2 =	sld [smem:$0x3F93];
	s0 =	simm.s32 @p1 $0x1  }
0x15: {  	[smem:$0x3FB0] =	sst s0;
	s0 =	simm.s32 @!p2 $0x0  }
0x16: {  	s3 =	sld [smem:$0x3FDB];
	s0 =	simm.s32 @p2 $0x1  }
0x17: {  	s4 =	simm.s32 $0x1BF5;
	[smem:$0x3FB2] =	sst s0  }
0x18: {  	s0 =	sld [smem:$0x3F95];
	_ =	swait.ge [sflag:s4], $0x0  }
0x19: {  	s7 =	sld [smem:$0x3F96]  }
0x1a: {  	s8 =	sadd.s32 $0xFFFFE003, lr  }
0x1b: {  	s9 =	sadd.s32 $0xFFFFFEF7, lr;
	s5 =	simm.s32 $0xFFFFFFFF;
	p2 =	slt.u32 s8, $0xFFFFF086  }
0x1c: {  	p1 =	slt.u32 s9, $0xF7A;
	s5 =	simm.s32 @!p2 $0x0  }
0x1d: {  	s5 =	simm.s32 @p1 $0x1;
	p0 =	seq.s32 s7, s2  }
0x1e: {  	s7 =	smul.u32 @!p0 $0xF7A, s2;
	p2 =	seq.s32 @!p0 s5, $0x0  }
0x1f: {  	s9 =	smul.u32 $0xF7A, s1;
	s8 =	simm.s32 @!p0 $0x1BF5;
	p2 =	por !p2, p0  }
0x20: {  	[sflag:s8] =	ssyncset.s32 @!p0 $0xFFFFF086;
	s6 =	sadd.s32 @!p0 s3, s7;
	s7 =	simm.s32 @!p0 $0x108  }
0x21: {  	s3 =	sadd.s32 s3, s9;
	s6 =	sadd.s32 @!p0 $0x88, s6;
	s7 =	simm.s32 @p2 $0x1082  }
0x22: {  	[simem:s7], [sflag:s8] =	dma.local @!p0 [hbm:s6], $0xF7A  }
0x23: {  	s9 =	sor.u32 $0xD0000000, s2;
	s6 =	simm.s32 $0x108;
	_ =	swait.ge @!p0 [sflag:s8], $0x0  }
0x24: {  	s3 =	sadd.s32 $0x88, s3;
	s6 =	simm.s32 @!p1 $0x1082;
	[sflag:s4] =	ssyncset.s32 $0xFFFFF086  }
0x25: {  	[simem:s6], [sflag:s4] =	dma.local [hbm:s3], $0xF7A  }
0x26: {  	[smem:$0x3F96] =	sst s1;
	(tag) =	ssettag s2;
	_ =	strace s9  }
0x27: {  	s1 =	sld [smem:$0x3FA6]  }
0x28: {  	s2 =	sld [smem:$0x3FA7]  }
0x29: {  	s4 =	sld [smem:$0x3FA9]  }
0x2a: {  	p0 =	seq.s32 s5, $0x0;
	s5 =	sld [smem:$0x3FAA]  }
0x2b: {  	s6 =	sld [smem:$0x3FAB]  }
0x2c: {  	s7 =	sld [smem:$0x3FAC]  }
0x2d: {  	s3 =	simm.s32 $0x108;
	s8 =	sld [smem:$0x3FAD]  }
0x2e: {  	s3 =	simm.s32 @!p0 $0x1082;
	s9 =	sld [smem:$0x3FAE]  }
0x2f: {  	lr =	sadd.s32 s0, s3;
	s0 =	sld [smem:$0x3FA5]  }
0x30: {  	s3 =	sld [smem:$0x3FA8]  }
0x31: {  	[smem:$0x3FB1] =	sst s10  }
0x32: {  	s10 =	sld [smem:$0x3FAF];
	_ =	sdelay $0x3  }
0x33: {  	p0 =	seq.s32 s10, $0x1;
	s10 =	sld [smem:$0x3FB1];
	_ =	sdelay $0x3  }
0x34: {  	[smem:$0x3FB1] =	sst s10  }
0x35: {  	s10 =	sld [smem:$0x3FB0];
	_ =	sdelay $0x3  }
0x36: {  	p1 =	seq.s32 s10, $0x1;
	s10 =	sld [smem:$0x3FB1];
	_ =	sdelay $0x3  }
0x37: {  	[smem:$0x3FB1] =	sst s10  }
0x38: {  	s10 =	sld [smem:$0x3FB2]  }
0x39: {  	_ = 	snop;
	(pc) =	sbr.ind lr, $3  }
0x3a: {  	_ = 	snop  }
0x3b: {  	_ = 	snop  }
0x3c: {  	p2 =	seq.s32 s10, $0x1;
	s10 =	sld [smem:$0x3FB1]  }
0x3d: {  	_ =	shalt  }
0x3e: {  	_ =	shalt  }
0x3f: {  	_ =	shalt  }
0x40: {  	_ =	shalt  }
0x41: {  	_ =	shalt  }
0x42: {  	_ =	shalt  }
0x43: {  	_ =	shalt  }
0x44: {  	_ =	shalt  }
0x45: {  	_ =	shalt  }
0x46: {  	_ =	shalt  }
0x47: {  	_ =	shalt  }
0x48: {  	_ =	shalt  }
0x49: {  	_ =	shalt  }
0x4a: {  	_ =	shalt  }
0x4b: {  	_ =	shalt  }
0x4c: {  	_ =	shalt  }
0x4d: {  	_ =	shalt  }
0x4e: {  	_ =	shalt  }
0x4f: {  	_ =	shalt  }
0x50: {  	_ =	shalt  }
0x51: {  	_ =	shalt  }
0x52: {  	_ =	shalt  }
0x53: {  	_ =	shalt  }
0x54: {  	_ =	shalt  }
0x55: {  	_ =	shalt  }
0x56: {  	_ =	shalt  }
0x57: {  	_ =	shalt  }
0x58: {  	_ =	shalt  }
0x59: {  	_ =	shalt  }
0x5a: {  	_ =	shalt  }
0x5b: {  	_ =	shalt  }
0x5c: {  	_ =	shalt  }
0x5d: {  	_ =	shalt  }
0x5e: {  	_ =	shalt  }
0x5f: {  	_ =	shalt  }
0x60: {  	_ =	shalt  }
0x61: {  	_ =	shalt  }
0x62: {  	_ =	shalt  }
0x63: {  	_ =	shalt  }
0x64: {  	_ =	shalt  }
0x65: {  	_ =	shalt  }
0x66: {  	_ =	shalt  }
0x67: {  	_ =	shalt  }
0x68: {  	_ =	shalt  }
0x69: {  	_ =	shalt  }
0x6a: {  	_ =	shalt  }
0x6b: {  	_ =	shalt  }
0x6c: {  	_ =	shalt  }
0x6d: {  	_ =	shalt  }
0x6e: {  	_ =	shalt  }
0x6f: {  	_ =	shalt  }
0x70: {  	_ =	shalt  }
0x71: {  	_ =	shalt  }
0x72: {  	_ =	shalt  }
0x73: {  	_ =	shalt  }
0x74: {  	_ =	shalt  }
0x75: {  	_ =	shalt  }
0x76: {  	_ =	shalt  }
0x77: {  	_ =	shalt  }
0x78: {  	_ =	shalt  }
0x79: {  	_ =	shalt  }
0x7a: {  	_ =	shalt  }
0x7b: {  	_ =	shalt  }
0x7c: {  	_ =	shalt  }
0x7d: {  	_ =	shalt  }
0x7e: {  	_ =	shalt  }
0x7f: {  	_ =	shalt  }
0x80: {  	_ =	shalt  }
0x81: {  	_ =	shalt  }
0x82: {  	_ =	shalt  }
0x83: {  	_ =	shalt  }
0x84: {  	_ =	shalt  }
0x85: {  	_ =	shalt  }
0x86: {  	_ =	shalt  }
0x87: {  	_ =	shalt  }
.Lfunc_end0:
.L_simem_size_0:
called_computation.3_lowered:
.L_overlay_start_0:
0x88: {  	s2 =	sld [smem:$0x3FD9]  }
0x89: {  	s3 =	sld [smem:$0x3FFE];
	_ =	sdelay $0x1  }
0x8a: {  	s1 =	srdreg.scid  }
0x8b: {  	s0 =	sand.u32 $0x1, s1  }
0x8c: {  	s16 =	sshll.u32 s0, $0xA;
	s2 =	sadd.s32 s3, s2  }
0x8d: {  	s2 =	sadd.s32 s2, s16  }
0x8e: {  	[smem:$0x3FBD] =	sst s2  }
0x8f: {  	_ = 	snop  }
0x90: {  	(tm) =	ssettm $0x1  }
0x91: {  	s17 =	sld [smem:$0x3FFB];
	_ =	sdelay $0x3  }
0x92: {  	_ =	strace s17  }
0x93: {  	s2 =	sld [smem:$0x3FFC];
	_ =	sdelay $0x3  }
0x94: {  	_ =	strace s2  }
0x95: {  	s2 =	sld [smem:$0x3FFD];
	_ =	sdelay $0x3  }
0x96: {  	_ =	strace s2  }
0x97: {  	_ =	strace $0x8FFFFFFF  }
0x98: {  	s18 =	sld [smem:$0x3FDB];
	_ =	sdelay $0x1  }
0x99: {  	s19 =	simm.s32 $_scs_section_size  }
0x9a: {  	s4 =	simm.s32 $_size__tile_overlayer_lowered;
	s5 =	simm.s32 $_tile_overlayer_lowered  }
0x9b: {  	s22 =	simm.s32 $0x1BFF;
	s21 =	sshll.u32 s5, $0x1;
	s2 =	sadd.s32 s19, s18  }
0x9c: {  	s6 =	simm.s32 $0x0;
	s20 =	sshll.u32 s4, $0x1;
	s4 =	sadd.s32 s21, s2  }
0x9d: {  	[timem:s6], [sflag:s22] =	dma.local [hbm:s4], s20  }
0x9e: {  	_ =	swait.ge [sflag:s22], s20  }
0x9f: {  	s3 =	ssub.s32 $0x0, s20;
	[sflag:s22] =	ssyncset.done $0x0  }
0xa0: {  	[sflag:s22] =	ssyncadd.s32 s3;
	_ =	sdelay $0x1  }
0xa1: {  	s23 =	simm.s32 $0x1B8B  }
0xa2: {  	_ =	swait.ge [sflag:s23], $0x1  }
0xa3: {  	[sflag:s23] =	ssyncset.done $0x0  }
0xa4: {  	s25 =	simm.s32 $0x1B8E;
	s24 =	sld [smem:$0x3FFE];
	[sflag:s23] =	ssyncadd.s32 $0xFFFFFFFF  }
0xa5: {  	s26 =	simm.s32 $execute0_lowered;
	[smem:$0x3FD2] =	sst s25  }
0xa6: {  	s4 =	sshll.u32 s26, $0x1;
	_ =	strace $0x8000004F;
	[dreg:$0x1] =	wrdreg $0xFFFFFFFF  }
0xa7: {  	s28 =	simm.s32 $_size_execute0_lowered;
	s2 =	sadd.s32 s2, s4;
	[dreg:$0x0] =	wrdreg $0x0  }
0xa8: {  	s4 =	sshll.u32 s28, $0x1;
	[dreg:$0x2] =	wrdreg s2  }
0xa9: {  	[dreg:$0x3] =	wrdreg s4  }
0xaa: {  	[dreg:$0x4] =	wrdreg $0xC0  }
0xab: {  	_ =	task [dreg:s6], $0x5FFFF  }
0xac: {  	[dreg:$0x1] =	wrdreg $0xFFFFFFFF  }
0xad: {  	[dreg:$0x0] =	wrdreg $0x60  }
0xae: {  	[dreg:$0x2] =	wrdreg s24  }
0xaf: {  	[dreg:$0x3] =	wrdreg $0xC0000  }
0xb0: {  	[dreg:$0x4] =	wrdreg $0x9  }
0xb1: {  	_ =	task.clear_ibuf [dreg:s6], $0x5FFFF;
	_ =	strace $0x9000004F  }
0xb2: {  	s29 =	simm.s32 $0x9;
	_ =	strace $0x80000051  }
0xb3: {  	_ =	swait.ge [sflag:s29], $0x1  }
0xb4: {  	[sflag:s29] =	ssyncadd.s32 $0xFFFFFFFF  }
0xb5: {  	_ =	strace $0x90000051  }
0xb6: {  	_ =	sfence  }
0xb7: {  	s30 =	sld [smem:$0x0];
	_ =	sdelay $0x2  }
0xb8: {  	s31 =	sshll.u32 s1, $0xD;
	s1 =	sshrl.u32 s1, $0x2  }
0xb9: {  	s3 =	sand.u32 $0x4000, s31;
	s1 =	sadd.s32 s1, s30  }
0xba: {  	s0 =	sor.u32 s3, s0;
	s1 =	sshll.u32 s1, $0x11  }
0xbb: {  	s0 =	sor.u32 s1, s0  }
0xbc: {  	s0 =	sadd.s32 $0x8F2B, s0  }
0xbd: {  	[sflag:s0] =	ssyncadd.remote.s32 $0x1  }
0xbe: {  	_ =	sfence.sel $0xFFFF  }
0xbf: {  	[dreg:$0x0] =	wrdreg $0xFFFFFFFF;
	(pc) =	sbr.abs _section_cstart, $3  }
0xc0: {  	[dreg:$0x1] =	wrdreg $0xFFFFFFFF  }
0xc1: {  	_ =	task.clear_ibuf [dreg:s6], $0x2FFFF;
	_ =	strace $0x9FFFFFFF  }
0xc2: {  	(tm) =	ssettm $0x7FFFFFFF  }
0xc3: {  	_ =	shalt  }
tec
execute0_lowered:
.L_overlay_start_1:
0x0: {  	(tag) =	ssettag $0x1  }
0x1: {  	s6 =	rddreg [dreg:$0x0]  }
0x2: {  	s0 =	srdreg.scid;
	s2 =	rddreg [dreg:$0x1];
	s3 =	simm.s32 $0x0  }
0x3: {  	s14 =	simm.s32 $0x40;
	s5 =	sand.u32 $0x1, s0;
	s0 =	stileid.u32  }
0x4: {  	s15 =	simm.s32 $0xA000;
	s16 =	simm.s32 $0x0;
	s8 =	smul.u32 $0x14000, s0  }
0x5: {  	[smem:$0x7FF] =	sst s3;
	s4 =	sadd.s32 $0x3FE00, s6;
	s9 =	smul.u32 $0x140000, s5  }
0x6: {  	s1 =	sshll.u32 s5, $0x4;
	s28 =	smul.u32 $0x50000, s0;
	s5 =	ssub.s32 $0x2, s5  }
0x7: {  	s31 =	sshll.u32 s0, $0x6;
	s1 =	sor.u32 s0, s1;
	s29 =	sshrl.u32 s5, $0x1  }
0x8: {  	s7 =	smul.u32 $0xA00, s1;
	s1 =	rddreg [dreg:$0x2];
	_ =	strace $0x80000050  }
0x9: {  	s26 =	sshrl.u32 s8, $0x3;
	s8 =	sadd.s32 s8, s9;
	s30 =	sshrl.u32 s28, $0x2  }
0xa: {  	s12 =	ssub.s32 s5, s29;
	s8 =	sshrl.u32 s8, $0x3;
	s13 =	sadd.s32 s30, s2  }
0xb: {  	s10 =	sadd.s32 s7, s6;
	s7 =	sadd.s32 s26, s6;
	s11 =	sadd.s32 s8, s6  }
0xc: {  	s6 =	sor.u32 $0x1C01, s31;
	s5 =	sadd.s32 $0x17E00, s7;
	s7 =	sadd.s32 $0x8FE00, s10  }
0xd: {  	s8 =	sadd.s32 $0x3E00, s10;
	s9 =	sadd.s32 $0xA3E00, s11;
	s10 =	smax.u32 s12, $0x1  }
0xe: {  	s11 =	sshrl.u32 s13, $0x3;
	s12 =	simm.s32 $0x1;
	s13 =	simm.s32 $0x5000  }
.LBB2_1:
0xf: {  	[spmem:s11], [sflag:s6] =	dma.local [hbm:s5], $0x2800  }
0x10: {  	_ =	swait.ge [sflag:s12], $0x2800  }
0x11: {  	[sflag:s12] =	ssyncset.done $0x0  }
0x12: {  	[sflag:s12] =	ssyncadd.s32 $0xFFFFD800  }
0x13: {  	[tilespmem:s3], [sflag:$0x1] =	stream.linear.gather [hbm4b:s7+s3], $0x4E80, $0x38;
	v63 =	vld [tilespmem:$0x0]  }
0x14: {  	_ =	swait.ge [sflag:s12], $0x4E80  }
0x15: {  	[sflag:s12] =	ssyncset.done $0x0  }
0x16: {  	[sflag:s12] =	ssyncadd.s32 $0xFFFFB180  }
0x17: {  	[tilespmem:s13], [sflag:$0x1] =	stream.linear.gather [hbm4b:s8+s3], $0x4E80, $0x38;
	v63 =	vld [tilespmem:$0x0]  }
0x18: {  	_ =	swait.ge [sflag:s12], $0x4E80  }
0x19: {  	[sflag:s12] =	ssyncset.done $0x0  }
0x1a: {  	[sflag:s12] =	ssyncadd.s32 $0xFFFFB180  }
0x1b: {  	s17 =	simm.s32 $0x0;
	[bflag:$0x0] =	sbarrier.arrive $0xFFFF  }
0x1c: {  	[tilespmem:s15], [sflag:$0x1] =	stream.indirect.gather [hbm4b:s4+s14], $0x80, s17, s14, $0xb8;
	v63 =	vld [tilespmem:$0x0]  }
0x1d: {  	_ =	swait.ge [sflag:s12], $0x2000  }
0x1e: {  	[sflag:s12] =	ssyncset.done $0x0  }
0x1f: {  	s31 =	simm.s32 $0x5000;
	[sflag:s12] =	ssyncadd.s32 $0xFFFFE000  }
0x20: {  	[spmem:s2] =	stream.indirect.scatter.add.f32 [tilespmem:s15], [sflag:$0x1], $0x80, s31, s14, $0xb8;
	v63 =	vld [tilespmem:$0x0]  }
0x21: {  	_ =	swait.ge [sflag:s12], $0x2000  }
0x22: {  	s18 =	simm.s32 $0x400;
	s17 =	simm.s32 $0x200;
	[sflag:s12] =	ssyncset.done $0x0  }
.LBB2_2:
0x23: {  	s19 =	sshra.s32 s17, $0x2  }
0x24: {  	[sflag:s12] =	ssyncadd.s32 $0xFFFFE000;
	s17 =	smov.u32 s18;
	s20 =	sadd.s32 $0x200, s18  }
0x25: {  	[tilespmem:s15], [sflag:$0x1] =	stream.indirect.gather [hbm4b:s4+s14], $0x80, s19, s14, $0xb8;
	v63 =	vld [tilespmem:$0x0]  }
0x26: {  	p0 =	sne.s32 s18, $0x13800;
	_ =	swait.ge [sflag:s12], $0x2000  }
.Ltmp0:
0x27: {  	[sflag:s12] =	ssyncset.done $0x0;
	(pc) =	sbr.rel @p0 .LBB2_2-.Ltmp0, $4  }
0x28: {  	s18 =	sadd.s32 $0x5000, s19;
	[sflag:s12] =	ssyncadd.s32 $0xFFFFE000  }
0x29: {  	[spmem:s2] =	stream.indirect.scatter.add.f32 [tilespmem:s15], [sflag:$0x1], $0x80, s18, s14, $0xb8;
	v63 =	vld [tilespmem:$0x0]  }
0x2a: {  	_ =	swait.ge [sflag:s12], $0x2000  }
0x2b: {  	s18 =	smov.u32 s20;
	[sflag:s12] =	ssyncset.done $0x0  }
0x2c: {  	s17 =	sshra.s32 s17, $0x2;
	[sflag:s12] =	ssyncadd.s32 $0xFFFFE000  }
0x2d: {  	[tilespmem:s15], [sflag:$0x1] =	stream.indirect.gather [hbm4b:s4+s14], $0x80, s17, s14, $0xb8;
	v63 =	vld [tilespmem:$0x0]  }
0x2e: {  	_ =	swait.ge [sflag:s12], $0x2000  }
0x2f: {  	[sflag:s12] =	ssyncset.done $0x0  }
0x30: {  	s17 =	sadd.s32 $0x5000, s17;
	[sflag:s12] =	ssyncadd.s32 $0xFFFFE000  }
0x31: {  	[spmem:s2] =	stream.indirect.scatter.add.f32 [tilespmem:s15], [sflag:$0x1], $0x80, s17, s14, $0xb8;
	v63 =	vld [tilespmem:$0x0]  }
0x32: {  	_ =	swait.ge [sflag:s12], $0x2000  }
0x33: {  	s16 =	sadd.s32 $0x1, s16;
	[sflag:s12] =	ssyncset.done $0x0  }
0x34: {  	p0 =	sne.s32 s16, s10;
	[sflag:s12] =	ssyncadd.s32 $0xFFFFE000  }
.Ltmp1:
0x35: {  	[bflag:$0x0] =	sbarrier.arrive $0xFFFF;
	(pc) =	sbr.rel @p0 .LBB2_1-.Ltmp1, $4  }
0x36: {  	[hbm:s9], [sflag:s6] =	dma.local [spmem:s11], $0x2800  }
0x37: {  	_ =	swait.ge [sflag:s12], $0x2800  }
0x38: {  	[sflag:s12] =	ssyncset.done $0x0  }
0x39: {  	[sflag:s12] =	ssyncadd.s32 $0xFFFFD800  }
0x3a: {  	_ =	sfence.sel $0x180000  }
0x3b: {  	[bflag:$0x0] =	sbarrier.arrive $0xFFFF  }
0x3c: {  	p0 =	sne.s32 s0, $0x0;
	_ =	strace $0x90000050  }
0x3d: {  	s0 =	sadd.s32 @!p0 $0x100000, s1;
	[bflag:$0x2] =	sbarrier.arrive $0xFFFF  }
0x3e: {  	[sflag:s0] =	ssyncadd.tile.s32 @!p0 $0x1;
	_ =	shalt  }
.Lfunc_end2:
_tile_overlayer_lowered:
.L_overlay_start_2:
0x3f: {  	(tag) =	ssettag $0x2  }
0x40: {  	s0 =	rddreg [dreg:$0x0];
	s2 =	stileid.u32  }
0x41: {  	s1 =	rddreg [dreg:$0x1];
	p0 =	sne.s32 s2, $0x0  }
0x42: {  	s3 =	rddreg [dreg:$0x2];
	[bflag:$0x3] =	sbarrier.arrive $0xFFFF;
	s2 =	simm.s32 @!p0 $0x1C01  }
0x43: {  	[timem:s3], [sflag:s2] =	dma.local @!p0 [hbm:s0], s1  }
0x44: {  	s0 =	simm.s32 @!p0 $0x1  }
0x45: {  	_ =	swait.ge @!p0 [sflag:s0], s1  }
0x46: {  	s1 =	ssub.s32 @!p0 $0x0, s1;
	[sflag:s0] =	ssyncset.done @!p0 $0x0  }
0x47: {  	[sflag:s0] =	ssyncadd.s32 @!p0 s1  }
0x48: {  	[bflag:$0x3] =	sbarrier.arrive $0xFFFF  }
0x49: {  	_ =	shalt  }

</sc_bundles>
